<compile_context>
chip_gen: v7x
topology: tpu7x:2x2x1
jax: 0.10.2.dev20260603
libtpu: 0.0.44.dev20260713+nightly
codegen_flags: <defaults>
</compile_context>

<pallas_src>
import jax
import jax.numpy as jnp
from jax import lax
from jax.experimental import pallas as pl
from jax.experimental.pallas import tpu as pltpu, tpu_sc as plsc
from jax.experimental import layout as jlayout

_B = 16384
_NW = 32
_BPW = _B // _NW
_CHUNK = 128
_NCHUNK = _BPW // _CHUNK
_MAIN = 999936
_NROWS = 1000000
_TAILPAD = 4096


def _sc_body(x_hbm, tab_hbm, tail_hbm, out_hbm,
             idx_v, idxa_v, idxb_v, idxt_v, da_v, db_v, dt_v, out_v, sem):
    nc = 2
    wid = lax.axis_index("s") * nc + lax.axis_index("c")
    base = wid * _BPW

    pltpu.sync_copy(x_hbm.at[pl.ds(base, _BPW)], idx_v)

    def build(i, carry):
        xv = idx_v[pl.ds(i * 16, 16)]
        is_tail = xv >= _MAIN
        ma = jnp.where(is_tail, 0, xv + (xv & ~127))
        idxa_v[pl.ds(i * 16, 16)] = ma
        idxb_v[pl.ds(i * 16, 16)] = ma + 128
        idxt_v[pl.ds(i * 16, 16)] = jnp.where(is_tail, xv - _MAIN,
                                              xv & (_TAILPAD - 1))
        return carry

    lax.fori_loop(0, _BPW // 16, build, 0, unroll=2)

    copies = []
    for k in range(_NCHUNK):
        s = pl.ds(k * _CHUNK, _CHUNK)
        copies.append(pltpu.async_copy(tab_hbm.at[idxa_v.at[s]], da_v.at[s], sem))
        copies.append(pltpu.async_copy(tab_hbm.at[idxb_v.at[s]], db_v.at[s], sem))
        copies.append(pltpu.async_copy(tail_hbm.at[idxt_v.at[s]], dt_v.at[s], sem))

    def unpack(i, carry):
        t = i // 8
        r = i % 8
        o = i * 16
        xv = idx_v[pl.ds(o, 16)]
        is_tail = xv >= _MAIN
        vt = dt_v[pl.ds(o, 16)]
        d1 = jnp.where(is_tail, vt & 15, da_v[pl.ds(o, 16)])
        d2 = jnp.where(is_tail, vt >> 4, db_v[pl.ds(o, 16)])
        pw = d1 | (d2 << 4)
        for j in range(8):
            s = 3 - j if j < 4 else 11 - j
            out_v[pl.ds(t * 1024 + j * 128 + r * 16, 16)] = (
                ((pw >> s) & 1).astype(jnp.float32))
        return carry

    for k in range(_NCHUNK):
        for c in copies[3 * k:3 * k + 3]:
            c.wait()
        lax.fori_loop(8 * k, 8 * k + 8, unpack, 0)

    pltpu.sync_copy(out_v, out_hbm.at[pl.ds(base * 8, _BPW * 8)])


def kernel(x, ground_truth):
    main = ground_truth[:_MAIN]
    t = jnp.transpose(main.reshape(_MAIN // 128, 128, 2), (0, 2, 1))
    t = jlayout.with_layout_constraint(t, jlayout.Layout((0, 1, 2)))
    flat = t.reshape(-1)
    tail = ground_truth[_MAIN:]
    tailp = jnp.pad(tail[:, 0] | (tail[:, 1] << 4),
                    (0, _TAILPAD - (_NROWS - _MAIN)))

    mesh = plsc.VectorSubcoreMesh(core_axis_name="c", subcore_axis_name="s",
                                  num_cores=2, num_subcores=16)
    out_flat = pl.kernel(
        _sc_body,
        out_type=jax.ShapeDtypeStruct((_B * 8,), jnp.float32),
        mesh=mesh,
        scratch_types=[
            pltpu.VMEM((_BPW,), jnp.int32),
            pltpu.VMEM((_BPW,), jnp.int32),
            pltpu.VMEM((_BPW,), jnp.int32),
            pltpu.VMEM((_BPW,), jnp.int32),
            pltpu.VMEM((_BPW,), jnp.int32),
            pltpu.VMEM((_BPW,), jnp.int32),
            pltpu.VMEM((_BPW,), jnp.int32),
            pltpu.VMEM((_BPW * 8,), jnp.float32),
            pltpu.SemaphoreType.DMA,
        ],
    )(x, flat, tailp)

    o3 = out_flat.reshape(_B // 128, 8, 128)
    o3 = jlayout.with_layout_constraint(o3, jlayout.Layout((0, 1, 2)))
    return jnp.transpose(o3, (0, 2, 1)).reshape(_B, 8)

# --- scband reference (transcript-rebuilt; emitter-appended) ---
"""Pipeline reference for scband-example-mnist-add-model-21706764714355 (READ-ONLY COPY).

The authoritative reference and input builder live on the scoring server;
editing this copy changes nothing except your own understanding.
"""

import jax, jax.numpy as jnp
import numpy as np

N_ROWS = 1000000  # dataset size (vocab)
BATCH = 16384


def setup_inputs(seed: int = 0) -> dict:
    key = jax.random.key(seed)
    k1, k2 = jax.random.split(key)
    # ground-truth digit labels for each dataset index: two digits in [0, 10)
    ground_truth = jax.random.randint(k1, (N_ROWS, 2), 0, 10).astype(jnp.int32)
    # batch of dataset indices
    x = jax.random.randint(k2, (BATCH,), 0, N_ROWS).astype(jnp.int32)
    return {"x": x, "ground_truth": ground_truth}


def reference(x, ground_truth):
    # Gather the two ground-truth digit labels for each index (embedding lookup)
    digits = jnp.take(ground_truth, x, axis=0)  # [B, 2]
    d1 = digits[:, 0]
    d2 = digits[:, 1]
    # 4-bit binary encoding, MSB first (format(d, '04b'))
    shifts = jnp.array([3, 2, 1, 0], dtype=jnp.int32)
    bits1 = (d1[:, None] >> shifts[None, :]) & 1  # [B, 4]
    bits2 = (d2[:, None] >> shifts[None, :]) & 1  # [B, 4]
    # Code appends all bits of digit 1 first, then all bits of digit 2
    concept = jnp.concatenate([bits1, bits2], axis=1).astype(jnp.float32)  # [B, 8]
    return concept

if __name__ == "__main__":
    import jax
    _d = setup_inputs()
    print(jax.jit(kernel)(*tuple(_d.values())))

</pallas_src>

<mosaic_0001>
#map = affine_map<(d0, d1) -> (0)>
module attributes {stable_mosaic.version = 14 : i64} {
  func.func @_sc_body(%arg0: i32, %arg1: i32, %arg2: memref<16384xi32, #tpu.memory_space<hbm>>, %arg3: memref<1999872xi32, #tpu.memory_space<hbm>>, %arg4: memref<4096xi32, #tpu.memory_space<hbm>>, %arg5: memref<131072xf32, #tpu.memory_space<hbm>>, %arg6: memref<512xi32, #tpu.memory_space<vmem>>, %arg7: memref<512xi32, #tpu.memory_space<vmem>>, %arg8: memref<512xi32, #tpu.memory_space<vmem>>, %arg9: memref<512xi32, #tpu.memory_space<vmem>>, %arg10: memref<512xi32, #tpu.memory_space<vmem>>, %arg11: memref<512xi32, #tpu.memory_space<vmem>>, %arg12: memref<512xi32, #tpu.memory_space<vmem>>, %arg13: memref<4096xf32, #tpu.memory_space<vmem>>, %arg14: memref<!tpu.dma_semaphore, #tpu.memory_space<semaphore_mem>>) attributes {dimension_semantics = [#tpu.dimension_semantics<core_parallel>, #tpu.dimension_semantics<subcore_parallel>], iteration_bounds = array<i64: 2, 16>, scalar_prefetch = 0 : i64, scratch_operands = 9 : i64, tpu.core_type = #tpu.core_type<sc_vector_subcore>, window_params = [{transform_indices = #map}, {transform_indices = #map}, {transform_indices = #map}, {transform_indices = #map}]} {
    %mul3A = arith.constant 2 : i32
    %mul3A_0 = arith.muli %arg1, %mul3A : i32
    %add3A = arith.addi %mul3A_0, %arg0 : i32
    %mul3A_1 = arith.constant 512 : i32
    %mul3A_2 = arith.muli %add3A, %mul3A_1 : i32
    "tpu.region"() ({
      %run_scoped3A = tpu.sem_alloc : memref<!tpu.dma_semaphore, #tpu.memory_space<semaphore_mem>>
      %dma_start3A_176 = tpu.memref_slice %arg2[%mul3A_2] : memref<16384xi32, #tpu.memory_space<hbm>> -> memref<512xi32, #tpu.memory_space<hbm>>
      %dma_start3A_177 = tpu.memref_slice %arg2[%mul3A_2] : memref<16384xi32, #tpu.memory_space<hbm>> -> memref<512xi32, #tpu.memory_space<hbm>>
      tpu.enqueue_dma source(%dma_start3A_177 : memref<512xi32, #tpu.memory_space<hbm>>) target(%arg6 : memref<512xi32, #tpu.memory_space<vmem>>) target_semaphore(%run_scoped3A : memref<!tpu.dma_semaphore, #tpu.memory_space<semaphore_mem>>)
      %dma_wait3A_178 = tpu.memref_slice %arg2[%mul3A_2] : memref<16384xi32, #tpu.memory_space<hbm>> -> memref<512xi32, #tpu.memory_space<hbm>>
      %dma_wait3A_179 = tpu.memref_slice %arg2[%mul3A_2] : memref<16384xi32, #tpu.memory_space<hbm>> -> memref<512xi32, #tpu.memory_space<hbm>>
      tpu.wait_dma2 semaphore(%run_scoped3A : memref<!tpu.dma_semaphore, #tpu.memory_space<semaphore_mem>>) src(%dma_wait3A_179 : memref<512xi32, #tpu.memory_space<hbm>>) dst(%arg6 : memref<512xi32, #tpu.memory_space<vmem>>)
      tpu.yield
    }) : () -> ()
    %scan3A = arith.constant 0 : i32
    %scan3A_3 = arith.constant 0 : i32
    %scan3A_4 = arith.constant 32 : i32
    %scan3A_5 = arith.addi %scan3A_3, %scan3A_4 : i32
    %scan3A_6 = arith.constant 2 : i32
    scf.for %scan3A_176 = %scan3A_3 to %scan3A_5 step %scan3A_6  : i32 {
      %mul3A_177 = arith.constant 16 : i32
      %mul3A_178 = arith.muli %scan3A_176, %mul3A_177 : i32
      %get3A = arith.index_cast %mul3A_178 : i32 to index
      %get3A_179 = tpu.vector_load %arg6[%get3A] {strides = array<i32>} : memref<512xi32, #tpu.memory_space<vmem>>, vector<16xi32>,
      %get3A_180 = vector.shape_cast %get3A_179 : vector<16xi32> to vector<16xi32>
      %ge3A = arith.constant 999936 : i32
      %ge3A_181 = vector.broadcast %ge3A : i32 to vector<16xi32>
      %ge3A_182 = arith.cmpi sge, %get3A_180, %ge3A_181 : vector<16xi32>
      %and3A = arith.constant -128 : i32
      %and3A_183 = vector.broadcast %and3A : i32 to vector<16xi32>
      %and3A_184 = arith.andi %get3A_180, %and3A_183 : vector<16xi32>
      %add3A_185 = arith.addi %get3A_180, %and3A_184 : vector<16xi32>
      %jit3A = arith.constant 0 : i32
      %broadcast_in_dim3A = vector.broadcast %jit3A : i32 to vector<16xi32>
      %select_n3A = arith.select %ge3A_182, %broadcast_in_dim3A, %add3A_185 : vector<16xi1>, vector<16xi32>
      %mul3A_186 = arith.constant 16 : i32
      %mul3A_187 = arith.muli %scan3A_176, %mul3A_186 : i32
      %swap3A = arith.index_cast %mul3A_187 : i32 to index
      %swap3A_188 = tpu.vector_load %arg7[%swap3A] {strides = array<i32>} : memref<512xi32, #tpu.memory_space<vmem>>, vector<16xi32>,
      %swap3A_189 = vector.shape_cast %swap3A_188 : vector<16xi32> to vector<16xi32>
      %swap3A_190 = vector.shape_cast %select_n3A : vector<16xi32> to vector<16xi32>
      tpu.vector_store %arg7[%swap3A], %swap3A_190 {strides = array<i32>} : memref<512xi32, #tpu.memory_space<vmem>>, vector<16xi32>,
      %add3A_191 = arith.constant 128 : i32
      %add3A_192 = vector.broadcast %add3A_191 : i32 to vector<16xi32>
      %add3A_193 = arith.addi %select_n3A, %add3A_192 : vector<16xi32>
      %mul3A_194 = arith.constant 16 : i32
      %mul3A_195 = arith.muli %scan3A_176, %mul3A_194 : i32
      %swap3A_196 = arith.index_cast %mul3A_195 : i32 to index
      %swap3A_197 = tpu.vector_load %arg8[%swap3A_196] {strides = array<i32>} : memref<512xi32, #tpu.memory_space<vmem>>, vector<16xi32>,
      %swap3A_198 = vector.shape_cast %swap3A_197 : vector<16xi32> to vector<16xi32>
      %swap3A_199 = vector.shape_cast %add3A_193 : vector<16xi32> to vector<16xi32>
      tpu.vector_store %arg8[%swap3A_196], %swap3A_199 {strides = array<i32>} : memref<512xi32, #tpu.memory_space<vmem>>, vector<16xi32>,
      %sub3A = arith.constant 999936 : i32
      %sub3A_200 = vector.broadcast %sub3A : i32 to vector<16xi32>
      %sub3A_201 = arith.subi %get3A_180, %sub3A_200 : vector<16xi32>
      %and3A_202 = arith.constant 4095 : i32
      %and3A_203 = vector.broadcast %and3A_202 : i32 to vector<16xi32>
      %and3A_204 = arith.andi %get3A_180, %and3A_203 : vector<16xi32>
      %select_n3A_205 = arith.select %ge3A_182, %sub3A_201, %and3A_204 : vector<16xi1>, vector<16xi32>
      %mul3A_206 = arith.constant 16 : i32
      %mul3A_207 = arith.muli %scan3A_176, %mul3A_206 : i32
      %swap3A_208 = arith.index_cast %mul3A_207 : i32 to index
      %swap3A_209 = tpu.vector_load %arg9[%swap3A_208] {strides = array<i32>} : memref<512xi32, #tpu.memory_space<vmem>>, vector<16xi32>,
      %swap3A_210 = vector.shape_cast %swap3A_209 : vector<16xi32> to vector<16xi32>
      %swap3A_211 = vector.shape_cast %select_n3A_205 : vector<16xi32> to vector<16xi32>
      tpu.vector_store %arg9[%swap3A_208], %swap3A_211 {strides = array<i32>} : memref<512xi32, #tpu.memory_space<vmem>>, vector<16xi32>,
      %scan3A_212 = arith.constant 1 : i32
      %scan3A_213 = arith.addi %scan3A_176, %scan3A_212 : i32
      %mul3A_214 = arith.constant 16 : i32
      %mul3A_215 = arith.muli %scan3A_213, %mul3A_214 : i32
      %get3A_216 = arith.index_cast %mul3A_215 : i32 to index
      %get3A_217 = tpu.vector_load %arg6[%get3A_216] {strides = array<i32>} : memref<512xi32, #tpu.memory_space<vmem>>, vector<16xi32>,
      %get3A_218 = vector.shape_cast %get3A_217 : vector<16xi32> to vector<16xi32>
      %ge3A_219 = arith.constant 999936 : i32
      %ge3A_220 = vector.broadcast %ge3A_219 : i32 to vector<16xi32>
      %ge3A_221 = arith.cmpi sge, %get3A_218, %ge3A_220 : vector<16xi32>
      %and3A_222 = arith.constant -128 : i32
      %and3A_223 = vector.broadcast %and3A_222 : i32 to vector<16xi32>
      %and3A_224 = arith.andi %get3A_218, %and3A_223 : vector<16xi32>
      %add3A_225 = arith.addi %get3A_218, %and3A_224 : vector<16xi32>
      %jit3A_226 = arith.constant 0 : i32
      %broadcast_in_dim3A_227 = vector.broadcast %jit3A_226 : i32 to vector<16xi32>
      %select_n3A_228 = arith.select %ge3A_221, %broadcast_in_dim3A_227, %add3A_225 : vector<16xi1>, vector<16xi32>
      %mul3A_229 = arith.constant 16 : i32
      %mul3A_230 = arith.muli %scan3A_213, %mul3A_229 : i32
      %swap3A_231 = arith.index_cast %mul3A_230 : i32 to index
      %swap3A_232 = tpu.vector_load %arg7[%swap3A_231] {strides = array<i32>} : memref<512xi32, #tpu.memory_space<vmem>>, vector<16xi32>,
      %swap3A_233 = vector.shape_cast %swap3A_232 : vector<16xi32> to vector<16xi32>
      %swap3A_234 = vector.shape_cast %select_n3A_228 : vector<16xi32> to vector<16xi32>
      tpu.vector_store %arg7[%swap3A_231], %swap3A_234 {strides = array<i32>} : memref<512xi32, #tpu.memory_space<vmem>>, vector<16xi32>,
      %add3A_235 = arith.constant 128 : i32
      %add3A_236 = vector.broadcast %add3A_235 : i32 to vector<16xi32>
      %add3A_237 = arith.addi %select_n3A_228, %add3A_236 : vector<16xi32>
      %mul3A_238 = arith.constant 16 : i32
      %mul3A_239 = arith.muli %scan3A_213, %mul3A_238 : i32
      %swap3A_240 = arith.index_cast %mul3A_239 : i32 to index
      %swap3A_241 = tpu.vector_load %arg8[%swap3A_240] {strides = array<i32>} : memref<512xi32, #tpu.memory_space<vmem>>, vector<16xi32>,
      %swap3A_242 = vector.shape_cast %swap3A_241 : vector<16xi32> to vector<16xi32>
      %swap3A_243 = vector.shape_cast %add3A_237 : vector<16xi32> to vector<16xi32>
      tpu.vector_store %arg8[%swap3A_240], %swap3A_243 {strides = array<i32>} : memref<512xi32, #tpu.memory_space<vmem>>, vector<16xi32>,
      %sub3A_244 = arith.constant 999936 : i32
      %sub3A_245 = vector.broadcast %sub3A_244 : i32 to vector<16xi32>
      %sub3A_246 = arith.subi %get3A_218, %sub3A_245 : vector<16xi32>
      %and3A_247 = arith.constant 4095 : i32
      %and3A_248 = vector.broadcast %and3A_247 : i32 to vector<16xi32>
      %and3A_249 = arith.andi %get3A_218, %and3A_248 : vector<16xi32>
      %select_n3A_250 = arith.select %ge3A_221, %sub3A_246, %and3A_249 : vector<16xi1>, vector<16xi32>
      %mul3A_251 = arith.constant 16 : i32
      %mul3A_252 = arith.muli %scan3A_213, %mul3A_251 : i32
      %swap3A_253 = arith.index_cast %mul3A_252 : i32 to index
      %swap3A_254 = tpu.vector_load %arg9[%swap3A_253] {strides = array<i32>} : memref<512xi32, #tpu.memory_space<vmem>>, vector<16xi32>,
      %swap3A_255 = vector.shape_cast %swap3A_254 : vector<16xi32> to vector<16xi32>
      %swap3A_256 = vector.shape_cast %select_n3A_250 : vector<16xi32> to vector<16xi32>
      tpu.vector_store %arg9[%swap3A_253], %swap3A_256 {strides = array<i32>} : memref<512xi32, #tpu.memory_space<vmem>>, vector<16xi32>,
    }
    %scan3A_7 = arith.constant 32 : i32
    %dma_start3A = arith.constant 0 : i32
    %dma_start3A_8 = tpu.memref_slice %arg10[%dma_start3A] : memref<512xi32, #tpu.memory_space<vmem>> -> memref<128xi32, #tpu.memory_space<vmem>>
    %dma_start3A_9 = arith.constant 0 : i32
    %dma_start3A_10 = tpu.memref_slice %arg7[%dma_start3A_9] : memref<512xi32, #tpu.memory_space<vmem>> -> memref<128xi32, #tpu.memory_space<vmem>>
    %dma_start3A_11 = arith.constant 0 : i32
    %dma_start3A_12 = tpu.memref_slice %arg3[%dma_start3A_11] : memref<1999872xi32, #tpu.memory_space<hbm>> -> memref<1999872xi32, #tpu.memory_space<hbm>>
    tpu.enqueue_indirect_dma source(%dma_start3A_12 : memref<1999872xi32, #tpu.memory_space<hbm>>) target(%dma_start3A_8 : memref<128xi32, #tpu.memory_space<vmem>>) offsets(%dma_start3A_10 : memref<128xi32, #tpu.memory_space<vmem>>) semaphore(%arg14 : memref<!tpu.dma_semaphore, #tpu.memory_space<semaphore_mem>>)
    %dma_start3A_13 = arith.constant 0 : i32
    %dma_start3A_14 = tpu.memref_slice %arg11[%dma_start3A_13] : memref<512xi32, #tpu.memory_space<vmem>> -> memref<128xi32, #tpu.memory_space<vmem>>
    %dma_start3A_15 = arith.constant 0 : i32
    %dma_start3A_16 = tpu.memref_slice %arg8[%dma_start3A_15] : memref<512xi32, #tpu.memory_space<vmem>> -> memref<128xi32, #tpu.memory_space<vmem>>
    %dma_start3A_17 = arith.constant 0 : i32
    %dma_start3A_18 = tpu.memref_slice %arg3[%dma_start3A_17] : memref<1999872xi32, #tpu.memory_space<hbm>> -> memref<1999872xi32, #tpu.memory_space<hbm>>
    tpu.enqueue_indirect_dma source(%dma_start3A_18 : memref<1999872xi32, #tpu.memory_space<hbm>>) target(%dma_start3A_14 : memref<128xi32, #tpu.memory_space<vmem>>) offsets(%dma_start3A_16 : memref<128xi32, #tpu.memory_space<vmem>>) semaphore(%arg14 : memref<!tpu.dma_semaphore, #tpu.memory_space<semaphore_mem>>)
    %dma_start3A_19 = arith.constant 0 : i32
    %dma_start3A_20 = tpu.memref_slice %arg12[%dma_start3A_19] : memref<512xi32, #tpu.memory_space<vmem>> -> memref<128xi32, #tpu.memory_space<vmem>>
    %dma_start3A_21 = arith.constant 0 : i32
    %dma_start3A_22 = tpu.memref_slice %arg9[%dma_start3A_21] : memref<512xi32, #tpu.memory_space<vmem>> -> memref<128xi32, #tpu.memory_space<vmem>>
    %dma_start3A_23 = arith.constant 0 : i32
    %dma_start3A_24 = tpu.memref_slice %arg4[%dma_start3A_23] : memref<4096xi32, #tpu.memory_space<hbm>> -> memref<4096xi32, #tpu.memory_space<hbm>>
    tpu.enqueue_indirect_dma source(%dma_start3A_24 : memref<4096xi32, #tpu.memory_space<hbm>>) target(%dma_start3A_20 : memref<128xi32, #tpu.memory_space<vmem>>) offsets(%dma_start3A_22 : memref<128xi32, #tpu.memory_space<vmem>>) semaphore(%arg14 : memref<!tpu.dma_semaphore, #tpu.memory_space<semaphore_mem>>)
    %dma_start3A_25 = arith.constant 128 : i32
    %dma_start3A_26 = tpu.memref_slice %arg10[%dma_start3A_25] : memref<512xi32, #tpu.memory_space<vmem>> -> memref<128xi32, #tpu.memory_space<vmem>>
    %dma_start3A_27 = arith.constant 128 : i32
    %dma_start3A_28 = tpu.memref_slice %arg7[%dma_start3A_27] : memref<512xi32, #tpu.memory_space<vmem>> -> memref<128xi32, #tpu.memory_space<vmem>>
    %dma_start3A_29 = arith.constant 0 : i32
    %dma_start3A_30 = tpu.memref_slice %arg3[%dma_start3A_29] : memref<1999872xi32, #tpu.memory_space<hbm>> -> memref<1999872xi32, #tpu.memory_space<hbm>>
    tpu.enqueue_indirect_dma source(%dma_start3A_30 : memref<1999872xi32, #tpu.memory_space<hbm>>) target(%dma_start3A_26 : memref<128xi32, #tpu.memory_space<vmem>>) offsets(%dma_start3A_28 : memref<128xi32, #tpu.memory_space<vmem>>) semaphore(%arg14 : memref<!tpu.dma_semaphore, #tpu.memory_space<semaphore_mem>>)
    %dma_start3A_31 = arith.constant 128 : i32
    %dma_start3A_32 = tpu.memref_slice %arg11[%dma_start3A_31] : memref<512xi32, #tpu.memory_space<vmem>> -> memref<128xi32, #tpu.memory_space<vmem>>
    %dma_start3A_33 = arith.constant 128 : i32
    %dma_start3A_34 = tpu.memref_slice %arg8[%dma_start3A_33] : memref<512xi32, #tpu.memory_space<vmem>> -> memref<128xi32, #tpu.memory_space<vmem>>
    %dma_start3A_35 = arith.constant 0 : i32
    %dma_start3A_36 = tpu.memref_slice %arg3[%dma_start3A_35] : memref<1999872xi32, #tpu.memory_space<hbm>> -> memref<1999872xi32, #tpu.memory_space<hbm>>
    tpu.enqueue_indirect_dma source(%dma_start3A_36 : memref<1999872xi32, #tpu.memory_space<hbm>>) target(%dma_start3A_32 : memref<128xi32, #tpu.memory_space<vmem>>) offsets(%dma_start3A_34 : memref<128xi32, #tpu.memory_space<vmem>>) semaphore(%arg14 : memref<!tpu.dma_semaphore, #tpu.memory_space<semaphore_mem>>)
    %dma_start3A_37 = arith.constant 128 : i32
    %dma_start3A_38 = tpu.memref_slice %arg12[%dma_start3A_37] : memref<512xi32, #tpu.memory_space<vmem>> -> memref<128xi32, #tpu.memory_space<vmem>>
    %dma_start3A_39 = arith.constant 128 : i32
    %dma_start3A_40 = tpu.memref_slice %arg9[%dma_start3A_39] : memref<512xi32, #tpu.memory_space<vmem>> -> memref<128xi32, #tpu.memory_space<vmem>>
    %dma_start3A_41 = arith.constant 0 : i32
    %dma_start3A_42 = tpu.memref_slice %arg4[%dma_start3A_41] : memref<4096xi32, #tpu.memory_space<hbm>> -> memref<4096xi32, #tpu.memory_space<hbm>>
    tpu.enqueue_indirect_dma source(%dma_start3A_42 : memref<4096xi32, #tpu.memory_space<hbm>>) target(%dma_start3A_38 : memref<128xi32, #tpu.memory_space<vmem>>) offsets(%dma_start3A_40 : memref<128xi32, #tpu.memory_space<vmem>>) semaphore(%arg14 : memref<!tpu.dma_semaphore, #tpu.memory_space<semaphore_mem>>)
    %dma_start3A_43 = arith.constant 256 : i32
    %dma_start3A_44 = tpu.memref_slice %arg10[%dma_start3A_43] : memref<512xi32, #tpu.memory_space<vmem>> -> memref<128xi32, #tpu.memory_space<vmem>>
    %dma_start3A_45 = arith.constant 256 : i32
    %dma_start3A_46 = tpu.memref_slice %arg7[%dma_start3A_45] : memref<512xi32, #tpu.memory_space<vmem>> -> memref<128xi32, #tpu.memory_space<vmem>>
    %dma_start3A_47 = arith.constant 0 : i32
    %dma_start3A_48 = tpu.memref_slice %arg3[%dma_start3A_47] : memref<1999872xi32, #tpu.memory_space<hbm>> -> memref<1999872xi32, #tpu.memory_space<hbm>>
    tpu.enqueue_indirect_dma source(%dma_start3A_48 : memref<1999872xi32, #tpu.memory_space<hbm>>) target(%dma_start3A_44 : memref<128xi32, #tpu.memory_space<vmem>>) offsets(%dma_start3A_46 : memref<128xi32, #tpu.memory_space<vmem>>) semaphore(%arg14 : memref<!tpu.dma_semaphore, #tpu.memory_space<semaphore_mem>>)
    %dma_start3A_49 = arith.constant 256 : i32
    %dma_start3A_50 = tpu.memref_slice %arg11[%dma_start3A_49] : memref<512xi32, #tpu.memory_space<vmem>> -> memref<128xi32, #tpu.memory_space<vmem>>
    %dma_start3A_51 = arith.constant 256 : i32
    %dma_start3A_52 = tpu.memref_slice %arg8[%dma_start3A_51] : memref<512xi32, #tpu.memory_space<vmem>> -> memref<128xi32, #tpu.memory_space<vmem>>
    %dma_start3A_53 = arith.constant 0 : i32
    %dma_start3A_54 = tpu.memref_slice %arg3[%dma_start3A_53] : memref<1999872xi32, #tpu.memory_space<hbm>> -> memref<1999872xi32, #tpu.memory_space<hbm>>
    tpu.enqueue_indirect_dma source(%dma_start3A_54 : memref<1999872xi32, #tpu.memory_space<hbm>>) target(%dma_start3A_50 : memref<128xi32, #tpu.memory_space<vmem>>) offsets(%dma_start3A_52 : memref<128xi32, #tpu.memory_space<vmem>>) semaphore(%arg14 : memref<!tpu.dma_semaphore, #tpu.memory_space<semaphore_mem>>)
    %dma_start3A_55 = arith.constant 256 : i32
    %dma_start3A_56 = tpu.memref_slice %arg12[%dma_start3A_55] : memref<512xi32, #tpu.memory_space<vmem>> -> memref<128xi32, #tpu.memory_space<vmem>>
    %dma_start3A_57 = arith.constant 256 : i32
    %dma_start3A_58 = tpu.memref_slice %arg9[%dma_start3A_57] : memref<512xi32, #tpu.memory_space<vmem>> -> memref<128xi32, #tpu.memory_space<vmem>>
    %dma_start3A_59 = arith.constant 0 : i32
    %dma_start3A_60 = tpu.memref_slice %arg4[%dma_start3A_59] : memref<4096xi32, #tpu.memory_space<hbm>> -> memref<4096xi32, #tpu.memory_space<hbm>>
    tpu.enqueue_indirect_dma source(%dma_start3A_60 : memref<4096xi32, #tpu.memory_space<hbm>>) target(%dma_start3A_56 : memref<128xi32, #tpu.memory_space<vmem>>) offsets(%dma_start3A_58 : memref<128xi32, #tpu.memory_space<vmem>>) semaphore(%arg14 : memref<!tpu.dma_semaphore, #tpu.memory_space<semaphore_mem>>)
    %dma_start3A_61 = arith.constant 384 : i32
    %dma_start3A_62 = tpu.memref_slice %arg10[%dma_start3A_61] : memref<512xi32, #tpu.memory_space<vmem>> -> memref<128xi32, #tpu.memory_space<vmem>>
    %dma_start3A_63 = arith.constant 384 : i32
    %dma_start3A_64 = tpu.memref_slice %arg7[%dma_start3A_63] : memref<512xi32, #tpu.memory_space<vmem>> -> memref<128xi32, #tpu.memory_space<vmem>>
    %dma_start3A_65 = arith.constant 0 : i32
    %dma_start3A_66 = tpu.memref_slice %arg3[%dma_start3A_65] : memref<1999872xi32, #tpu.memory_space<hbm>> -> memref<1999872xi32, #tpu.memory_space<hbm>>
    tpu.enqueue_indirect_dma source(%dma_start3A_66 : memref<1999872xi32, #tpu.memory_space<hbm>>) target(%dma_start3A_62 : memref<128xi32, #tpu.memory_space<vmem>>) offsets(%dma_start3A_64 : memref<128xi32, #tpu.memory_space<vmem>>) semaphore(%arg14 : memref<!tpu.dma_semaphore, #tpu.memory_space<semaphore_mem>>)
    %dma_start3A_67 = arith.constant 384 : i32
    %dma_start3A_68 = tpu.memref_slice %arg11[%dma_start3A_67] : memref<512xi32, #tpu.memory_space<vmem>> -> memref<128xi32, #tpu.memory_space<vmem>>
    %dma_start3A_69 = arith.constant 384 : i32
    %dma_start3A_70 = tpu.memref_slice %arg8[%dma_start3A_69] : memref<512xi32, #tpu.memory_space<vmem>> -> memref<128xi32, #tpu.memory_space<vmem>>
    %dma_start3A_71 = arith.constant 0 : i32
    %dma_start3A_72 = tpu.memref_slice %arg3[%dma_start3A_71] : memref<1999872xi32, #tpu.memory_space<hbm>> -> memref<1999872xi32, #tpu.memory_space<hbm>>
    tpu.enqueue_indirect_dma source(%dma_start3A_72 : memref<1999872xi32, #tpu.memory_space<hbm>>) target(%dma_start3A_68 : memref<128xi32, #tpu.memory_space<vmem>>) offsets(%dma_start3A_70 : memref<128xi32, #tpu.memory_space<vmem>>) semaphore(%arg14 : memref<!tpu.dma_semaphore, #tpu.memory_space<semaphore_mem>>)
    %dma_start3A_73 = arith.constant 384 : i32
    %dma_start3A_74 = tpu.memref_slice %arg12[%dma_start3A_73] : memref<512xi32, #tpu.memory_space<vmem>> -> memref<128xi32, #tpu.memory_space<vmem>>
    %dma_start3A_75 = arith.constant 384 : i32
    %dma_start3A_76 = tpu.memref_slice %arg9[%dma_start3A_75] : memref<512xi32, #tpu.memory_space<vmem>> -> memref<128xi32, #tpu.memory_space<vmem>>
    %dma_start3A_77 = arith.constant 0 : i32
    %dma_start3A_78 = tpu.memref_slice %arg4[%dma_start3A_77] : memref<4096xi32, #tpu.memory_space<hbm>> -> memref<4096xi32, #tpu.memory_space<hbm>>
    tpu.enqueue_indirect_dma source(%dma_start3A_78 : memref<4096xi32, #tpu.memory_space<hbm>>) target(%dma_start3A_74 : memref<128xi32, #tpu.memory_space<vmem>>) offsets(%dma_start3A_76 : memref<128xi32, #tpu.memory_space<vmem>>) semaphore(%arg14 : memref<!tpu.dma_semaphore, #tpu.memory_space<semaphore_mem>>)
    %dma_wait3A = arith.constant 0 : i32
    %dma_wait3A_79 = tpu.memref_slice %arg10[%dma_wait3A] : memref<512xi32, #tpu.memory_space<vmem>> -> memref<128xi32, #tpu.memory_space<vmem>>
    %dma_wait3A_80 = arith.constant 0 : i32
    %dma_wait3A_81 = tpu.memref_slice %arg7[%dma_wait3A_80] : memref<512xi32, #tpu.memory_space<vmem>> -> memref<128xi32, #tpu.memory_space<vmem>>
    %dma_wait3A_82 = arith.constant 0 : i32
    %dma_wait3A_83 = tpu.memref_slice %arg3[%dma_wait3A_82] : memref<1999872xi32, #tpu.memory_space<hbm>> -> memref<1999872xi32, #tpu.memory_space<hbm>>
    tpu.wait_indirect_dma semaphore(%arg14 : memref<!tpu.dma_semaphore, #tpu.memory_space<semaphore_mem>>) src(%dma_wait3A_83 : memref<1999872xi32, #tpu.memory_space<hbm>>) dst(%dma_wait3A_79 : memref<128xi32, #tpu.memory_space<vmem>>)
    %dma_wait3A_84 = arith.constant 0 : i32
    %dma_wait3A_85 = tpu.memref_slice %arg11[%dma_wait3A_84] : memref<512xi32, #tpu.memory_space<vmem>> -> memref<128xi32, #tpu.memory_space<vmem>>
    %dma_wait3A_86 = arith.constant 0 : i32
    %dma_wait3A_87 = tpu.memref_slice %arg8[%dma_wait3A_86] : memref<512xi32, #tpu.memory_space<vmem>> -> memref<128xi32, #tpu.memory_space<vmem>>
    %dma_wait3A_88 = arith.constant 0 : i32
    %dma_wait3A_89 = tpu.memref_slice %arg3[%dma_wait3A_88] : memref<1999872xi32, #tpu.memory_space<hbm>> -> memref<1999872xi32, #tpu.memory_space<hbm>>
    tpu.wait_indirect_dma semaphore(%arg14 : memref<!tpu.dma_semaphore, #tpu.memory_space<semaphore_mem>>) src(%dma_wait3A_89 : memref<1999872xi32, #tpu.memory_space<hbm>>) dst(%dma_wait3A_85 : memref<128xi32, #tpu.memory_space<vmem>>)
    %dma_wait3A_90 = arith.constant 0 : i32
    %dma_wait3A_91 = tpu.memref_slice %arg12[%dma_wait3A_90] : memref<512xi32, #tpu.memory_space<vmem>> -> memref<128xi32, #tpu.memory_space<vmem>>
    %dma_wait3A_92 = arith.constant 0 : i32
    %dma_wait3A_93 = tpu.memref_slice %arg9[%dma_wait3A_92] : memref<512xi32, #tpu.memory_space<vmem>> -> memref<128xi32, #tpu.memory_space<vmem>>
    %dma_wait3A_94 = arith.constant 0 : i32
    %dma_wait3A_95 = tpu.memref_slice %arg4[%dma_wait3A_94] : memref<4096xi32, #tpu.memory_space<hbm>> -> memref<4096xi32, #tpu.memory_space<hbm>>
    tpu.wait_indirect_dma semaphore(%arg14 : memref<!tpu.dma_semaphore, #tpu.memory_space<semaphore_mem>>) src(%dma_wait3A_95 : memref<4096xi32, #tpu.memory_space<hbm>>) dst(%dma_wait3A_91 : memref<128xi32, #tpu.memory_space<vmem>>)
    %scan3A_96 = arith.constant 0 : i32
    %scan3A_97 = arith.constant 0 : i32
    %scan3A_98 = arith.constant 8 : i32
    %scan3A_99 = arith.addi %scan3A_97, %scan3A_98 : i32
    %scan3A_100 = arith.constant 1 : i32
    scf.for %scan3A_176 = %scan3A_97 to %scan3A_99 step %scan3A_100  : i32 {
      %jit3A = arith.constant 8 : i32
      %div3A = arith.divsi %scan3A_176, %jit3A : i32
      %sign3A = arith.constant 0 : i32
      %sign3A_177 = arith.cmpi sgt, %scan3A_176, %sign3A : i32
      %sign3A_178 = arith.extui %sign3A_177 : i1 to i32
      %sign3A_179 = arith.constant 0 : i32
      %sign3A_180 = arith.cmpi slt, %scan3A_176, %sign3A_179 : i32
      %sign3A_181 = arith.extui %sign3A_180 : i1 to i32
      %sign3A_182 = arith.subi %sign3A_178, %sign3A_181 : i32
      %sign3A_183 = arith.constant 0 : i32
      %sign3A_184 = arith.cmpi sgt, %jit3A, %sign3A_183 : i32
      %sign3A_185 = arith.extui %sign3A_184 : i1 to i32
      %sign3A_186 = arith.constant 0 : i32
      %sign3A_187 = arith.cmpi slt, %jit3A, %sign3A_186 : i32
      %sign3A_188 = arith.extui %sign3A_187 : i1 to i32
      %sign3A_189 = arith.subi %sign3A_185, %sign3A_188 : i32
      %ne3A = arith.cmpi ne, %sign3A_182, %sign3A_189 : i32
      %rem3A = arith.remsi %scan3A_176, %jit3A : i32
      %ne3A_190 = arith.constant 0 : i32
      %ne3A_191 = arith.cmpi ne, %rem3A, %ne3A_190 : i32
      %and3A = arith.andi %ne3A, %ne3A_191 : i1
      %sub3A = arith.constant 1 : i32
      %sub3A_192 = arith.subi %div3A, %sub3A : i32
      %select_n3A = arith.select %and3A, %sub3A_192, %div3A : i32
      %jit3A_193 = arith.constant 8 : i32
      %eq3A = arith.constant 0 : i32
      %eq3A_194 = arith.cmpi eq, %jit3A_193, %eq3A : i32
      %jit3A_195 = arith.constant 1 : i32
      %select_n3A_196 = arith.select %eq3A_194, %jit3A_195, %jit3A_193 : i32
      %rem3A_197 = arith.remsi %scan3A_176, %select_n3A_196 : i32
      %ne3A_198 = arith.constant 0 : i32
      %ne3A_199 = arith.cmpi ne, %rem3A_197, %ne3A_198 : i32
      %lt3A = arith.constant 0 : i32
      %lt3A_200 = arith.cmpi slt, %rem3A_197, %lt3A : i32
      %lt3A_201 = arith.constant 0 : i32
      %lt3A_202 = arith.cmpi slt, %select_n3A_196, %lt3A_201 : i32
      %ne3A_203 = arith.xori %lt3A_200, %lt3A_202 : i1
      %and3A_204 = arith.andi %ne3A_203, %ne3A_199 : i1
      %add3A_205 = arith.addi %rem3A_197, %select_n3A_196 : i32
      %select_n3A_206 = arith.select %and3A_204, %add3A_205, %rem3A_197 : i32
      %mul3A_207 = arith.constant 16 : i32
      %mul3A_208 = arith.muli %scan3A_176, %mul3A_207 : i32
      %get3A = arith.index_cast %mul3A_208 : i32 to index
      %get3A_209 = tpu.vector_load %arg6[%get3A] {strides = array<i32>} : memref<512xi32, #tpu.memory_space<vmem>>, vector<16xi32>,
      %get3A_210 = vector.shape_cast %get3A_209 : vector<16xi32> to vector<16xi32>
      %ge3A = arith.constant 999936 : i32
      %ge3A_211 = vector.broadcast %ge3A : i32 to vector<16xi32>
      %ge3A_212 = arith.cmpi sge, %get3A_210, %ge3A_211 : vector<16xi32>
      %get3A_213 = arith.index_cast %mul3A_208 : i32 to index
      %get3A_214 = tpu.vector_load %arg12[%get3A_213] {strides = array<i32>} : memref<512xi32, #tpu.memory_space<vmem>>, vector<16xi32>,
      %get3A_215 = vector.shape_cast %get3A_214 : vector<16xi32> to vector<16xi32>
      %and3A_216 = arith.constant 15 : i32
      %and3A_217 = vector.broadcast %and3A_216 : i32 to vector<16xi32>
      %and3A_218 = arith.andi %get3A_215, %and3A_217 : vector<16xi32>
      %get3A_219 = arith.index_cast %mul3A_208 : i32 to index
      %get3A_220 = tpu.vector_load %arg10[%get3A_219] {strides = array<i32>} : memref<512xi32, #tpu.memory_space<vmem>>, vector<16xi32>,
      %get3A_221 = vector.shape_cast %get3A_220 : vector<16xi32> to vector<16xi32>
      %select_n3A_222 = arith.select %ge3A_212, %and3A_218, %get3A_221 : vector<16xi1>, vector<16xi32>
      %shift_right_arithmetic3A = arith.constant 4 : i32
      %shift_right_arithmetic3A_223 = vector.broadcast %shift_right_arithmetic3A : i32 to vector<16xi32>
      %shift_right_arithmetic3A_224 = arith.shrsi %get3A_215, %shift_right_arithmetic3A_223 : vector<16xi32>
      %get3A_225 = arith.index_cast %mul3A_208 : i32 to index
      %get3A_226 = tpu.vector_load %arg11[%get3A_225] {strides = array<i32>} : memref<512xi32, #tpu.memory_space<vmem>>, vector<16xi32>,
      %get3A_227 = vector.shape_cast %get3A_226 : vector<16xi32> to vector<16xi32>
      %select_n3A_228 = arith.select %ge3A_212, %shift_right_arithmetic3A_224, %get3A_227 : vector<16xi1>, vector<16xi32>
      %shift_left3A = arith.constant 4 : i32
      %shift_left3A_229 = vector.broadcast %shift_left3A : i32 to vector<16xi32>
      %shift_left3A_230 = arith.shli %select_n3A_228, %shift_left3A_229 : vector<16xi32>
      %or3A = arith.ori %select_n3A_222, %shift_left3A_230 : vector<16xi32>
      %shift_right_arithmetic3A_231 = arith.constant 3 : i32
      %shift_right_arithmetic3A_232 = vector.broadcast %shift_right_arithmetic3A_231 : i32 to vector<16xi32>
      %shift_right_arithmetic3A_233 = arith.shrsi %or3A, %shift_right_arithmetic3A_232 : vector<16xi32>
      %and3A_234 = arith.constant 1 : i32
      %and3A_235 = vector.broadcast %and3A_234 : i32 to vector<16xi32>
      %and3A_236 = arith.andi %shift_right_arithmetic3A_233, %and3A_235 : vector<16xi32>
      %convert_element_type3A = arith.sitofp %and3A_236 : vector<16xi32> to vector<16xf32>
      %mul3A_237 = arith.constant 1024 : i32
      %mul3A_238 = arith.muli %select_n3A, %mul3A_237 : i32
      %add3A_239 = arith.constant 0 : i32
      %add3A_240 = arith.addi %mul3A_238, %add3A_239 : i32
      %mul3A_241 = arith.constant 16 : i32
      %mul3A_242 = arith.muli %select_n3A_206, %mul3A_241 : i32
      %add3A_243 = arith.addi %add3A_240, %mul3A_242 : i32
      %swap3A = arith.index_cast %add3A_243 : i32 to index
      %swap3A_244 = tpu.vector_load %arg13[%swap3A] {strides = array<i32>} : memref<4096xf32, #tpu.memory_space<vmem>>, vector<16xf32>,
      %swap3A_245 = vector.shape_cast %swap3A_244 : vector<16xf32> to vector<16xf32>
      %swap3A_246 = vector.shape_cast %convert_element_type3A : vector<16xf32> to vector<16xf32>
      tpu.vector_store %arg13[%swap3A], %swap3A_246 {strides = array<i32>} : memref<4096xf32, #tpu.memory_space<vmem>>, vector<16xf32>,
      %shift_right_arithmetic3A_247 = arith.constant 2 : i32
      %shift_right_arithmetic3A_248 = vector.broadcast %shift_right_arithmetic3A_247 : i32 to vector<16xi32>
      %shift_right_arithmetic3A_249 = arith.shrsi %or3A, %shift_right_arithmetic3A_248 : vector<16xi32>
      %and3A_250 = arith.constant 1 : i32
      %and3A_251 = vector.broadcast %and3A_250 : i32 to vector<16xi32>
      %and3A_252 = arith.andi %shift_right_arithmetic3A_249, %and3A_251 : vector<16xi32>
      %convert_element_type3A_253 = arith.sitofp %and3A_252 : vector<16xi32> to vector<16xf32>
      %mul3A_254 = arith.constant 1024 : i32
      %mul3A_255 = arith.muli %select_n3A, %mul3A_254 : i32
      %add3A_256 = arith.constant 128 : i32
      %add3A_257 = arith.addi %mul3A_255, %add3A_256 : i32
      %mul3A_258 = arith.constant 16 : i32
      %mul3A_259 = arith.muli %select_n3A_206, %mul3A_258 : i32
      %add3A_260 = arith.addi %add3A_257, %mul3A_259 : i32
      %swap3A_261 = arith.index_cast %add3A_260 : i32 to index
      %swap3A_262 = tpu.vector_load %arg13[%swap3A_261] {strides = array<i32>} : memref<4096xf32, #tpu.memory_space<vmem>>, vector<16xf32>,
      %swap3A_263 = vector.shape_cast %swap3A_262 : vector<16xf32> to vector<16xf32>
      %swap3A_264 = vector.shape_cast %convert_element_type3A_253 : vector<16xf32> to vector<16xf32>
      tpu.vector_store %arg13[%swap3A_261], %swap3A_264 {strides = array<i32>} : memref<4096xf32, #tpu.memory_space<vmem>>, vector<16xf32>,
      %shift_right_arithmetic3A_265 = arith.constant 1 : i32
      %shift_right_arithmetic3A_266 = vector.broadcast %shift_right_arithmetic3A_265 : i32 to vector<16xi32>
      %shift_right_arithmetic3A_267 = arith.shrsi %or3A, %shift_right_arithmetic3A_266 : vector<16xi32>
      %and3A_268 = arith.constant 1 : i32
      %and3A_269 = vector.broadcast %and3A_268 : i32 to vector<16xi32>
      %and3A_270 = arith.andi %shift_right_arithmetic3A_267, %and3A_269 : vector<16xi32>
      %convert_element_type3A_271 = arith.sitofp %and3A_270 : vector<16xi32> to vector<16xf32>
      %mul3A_272 = arith.constant 1024 : i32
      %mul3A_273 = arith.muli %select_n3A, %mul3A_272 : i32
      %add3A_274 = arith.constant 256 : i32
      %add3A_275 = arith.addi %mul3A_273, %add3A_274 : i32
      %mul3A_276 = arith.constant 16 : i32
      %mul3A_277 = arith.muli %select_n3A_206, %mul3A_276 : i32
      %add3A_278 = arith.addi %add3A_275, %mul3A_277 : i32
      %swap3A_279 = arith.index_cast %add3A_278 : i32 to index
      %swap3A_280 = tpu.vector_load %arg13[%swap3A_279] {strides = array<i32>} : memref<4096xf32, #tpu.memory_space<vmem>>, vector<16xf32>,
      %swap3A_281 = vector.shape_cast %swap3A_280 : vector<16xf32> to vector<16xf32>
      %swap3A_282 = vector.shape_cast %convert_element_type3A_271 : vector<16xf32> to vector<16xf32>
      tpu.vector_store %arg13[%swap3A_279], %swap3A_282 {strides = array<i32>} : memref<4096xf32, #tpu.memory_space<vmem>>, vector<16xf32>,
      %shift_right_arithmetic3A_283 = arith.constant 0 : i32
      %shift_right_arithmetic3A_284 = vector.broadcast %shift_right_arithmetic3A_283 : i32 to vector<16xi32>
      %shift_right_arithmetic3A_285 = arith.shrsi %or3A, %shift_right_arithmetic3A_284 : vector<16xi32>
      %and3A_286 = arith.constant 1 : i32
      %and3A_287 = vector.broadcast %and3A_286 : i32 to vector<16xi32>
      %and3A_288 = arith.andi %shift_right_arithmetic3A_285, %and3A_287 : vector<16xi32>
      %convert_element_type3A_289 = arith.sitofp %and3A_288 : vector<16xi32> to vector<16xf32>
      %mul3A_290 = arith.constant 1024 : i32
      %mul3A_291 = arith.muli %select_n3A, %mul3A_290 : i32
      %add3A_292 = arith.constant 384 : i32
      %add3A_293 = arith.addi %mul3A_291, %add3A_292 : i32
      %mul3A_294 = arith.constant 16 : i32
      %mul3A_295 = arith.muli %select_n3A_206, %mul3A_294 : i32
      %add3A_296 = arith.addi %add3A_293, %mul3A_295 : i32
      %swap3A_297 = arith.index_cast %add3A_296 : i32 to index
      %swap3A_298 = tpu.vector_load %arg13[%swap3A_297] {strides = array<i32>} : memref<4096xf32, #tpu.memory_space<vmem>>, vector<16xf32>,
      %swap3A_299 = vector.shape_cast %swap3A_298 : vector<16xf32> to vector<16xf32>
      %swap3A_300 = vector.shape_cast %convert_element_type3A_289 : vector<16xf32> to vector<16xf32>
      tpu.vector_store %arg13[%swap3A_297], %swap3A_300 {strides = array<i32>} : memref<4096xf32, #tpu.memory_space<vmem>>, vector<16xf32>,
      %shift_right_arithmetic3A_301 = arith.constant 7 : i32
      %shift_right_arithmetic3A_302 = vector.broadcast %shift_right_arithmetic3A_301 : i32 to vector<16xi32>
      %shift_right_arithmetic3A_303 = arith.shrsi %or3A, %shift_right_arithmetic3A_302 : vector<16xi32>
      %and3A_304 = arith.constant 1 : i32
      %and3A_305 = vector.broadcast %and3A_304 : i32 to vector<16xi32>
      %and3A_306 = arith.andi %shift_right_arithmetic3A_303, %and3A_305 : vector<16xi32>
      %convert_element_type3A_307 = arith.sitofp %and3A_306 : vector<16xi32> to vector<16xf32>
      %mul3A_308 = arith.constant 1024 : i32
      %mul3A_309 = arith.muli %select_n3A, %mul3A_308 : i32
      %add3A_310 = arith.constant 512 : i32
      %add3A_311 = arith.addi %mul3A_309, %add3A_310 : i32
      %mul3A_312 = arith.constant 16 : i32
      %mul3A_313 = arith.muli %select_n3A_206, %mul3A_312 : i32
      %add3A_314 = arith.addi %add3A_311, %mul3A_313 : i32
      %swap3A_315 = arith.index_cast %add3A_314 : i32 to index
      %swap3A_316 = tpu.vector_load %arg13[%swap3A_315] {strides = array<i32>} : memref<4096xf32, #tpu.memory_space<vmem>>, vector<16xf32>,
      %swap3A_317 = vector.shape_cast %swap3A_316 : vector<16xf32> to vector<16xf32>
      %swap3A_318 = vector.shape_cast %convert_element_type3A_307 : vector<16xf32> to vector<16xf32>
      tpu.vector_store %arg13[%swap3A_315], %swap3A_318 {strides = array<i32>} : memref<4096xf32, #tpu.memory_space<vmem>>, vector<16xf32>,
      %shift_right_arithmetic3A_319 = arith.constant 6 : i32
      %shift_right_arithmetic3A_320 = vector.broadcast %shift_right_arithmetic3A_319 : i32 to vector<16xi32>
      %shift_right_arithmetic3A_321 = arith.shrsi %or3A, %shift_right_arithmetic3A_320 : vector<16xi32>
      %and3A_322 = arith.constant 1 : i32
      %and3A_323 = vector.broadcast %and3A_322 : i32 to vector<16xi32>
      %and3A_324 = arith.andi %shift_right_arithmetic3A_321, %and3A_323 : vector<16xi32>
      %convert_element_type3A_325 = arith.sitofp %and3A_324 : vector<16xi32> to vector<16xf32>
      %mul3A_326 = arith.constant 1024 : i32
      %mul3A_327 = arith.muli %select_n3A, %mul3A_326 : i32
      %add3A_328 = arith.constant 640 : i32
      %add3A_329 = arith.addi %mul3A_327, %add3A_328 : i32
      %mul3A_330 = arith.constant 16 : i32
      %mul3A_331 = arith.muli %select_n3A_206, %mul3A_330 : i32
      %add3A_332 = arith.addi %add3A_329, %mul3A_331 : i32
      %swap3A_333 = arith.index_cast %add3A_332 : i32 to index
      %swap3A_334 = tpu.vector_load %arg13[%swap3A_333] {strides = array<i32>} : memref<4096xf32, #tpu.memory_space<vmem>>, vector<16xf32>,
      %swap3A_335 = vector.shape_cast %swap3A_334 : vector<16xf32> to vector<16xf32>
      %swap3A_336 = vector.shape_cast %convert_element_type3A_325 : vector<16xf32> to vector<16xf32>
      tpu.vector_store %arg13[%swap3A_333], %swap3A_336 {strides = array<i32>} : memref<4096xf32, #tpu.memory_space<vmem>>, vector<16xf32>,
      %shift_right_arithmetic3A_337 = arith.constant 5 : i32
      %shift_right_arithmetic3A_338 = vector.broadcast %shift_right_arithmetic3A_337 : i32 to vector<16xi32>
      %shift_right_arithmetic3A_339 = arith.shrsi %or3A, %shift_right_arithmetic3A_338 : vector<16xi32>
      %and3A_340 = arith.constant 1 : i32
      %and3A_341 = vector.broadcast %and3A_340 : i32 to vector<16xi32>
      %and3A_342 = arith.andi %shift_right_arithmetic3A_339, %and3A_341 : vector<16xi32>
      %convert_element_type3A_343 = arith.sitofp %and3A_342 : vector<16xi32> to vector<16xf32>
      %mul3A_344 = arith.constant 1024 : i32
      %mul3A_345 = arith.muli %select_n3A, %mul3A_344 : i32
      %add3A_346 = arith.constant 768 : i32
      %add3A_347 = arith.addi %mul3A_345, %add3A_346 : i32
      %mul3A_348 = arith.constant 16 : i32
      %mul3A_349 = arith.muli %select_n3A_206, %mul3A_348 : i32
      %add3A_350 = arith.addi %add3A_347, %mul3A_349 : i32
      %swap3A_351 = arith.index_cast %add3A_350 : i32 to index
      %swap3A_352 = tpu.vector_load %arg13[%swap3A_351] {strides = array<i32>} : memref<4096xf32, #tpu.memory_space<vmem>>, vector<16xf32>,
      %swap3A_353 = vector.shape_cast %swap3A_352 : vector<16xf32> to vector<16xf32>
      %swap3A_354 = vector.shape_cast %convert_element_type3A_343 : vector<16xf32> to vector<16xf32>
      tpu.vector_store %arg13[%swap3A_351], %swap3A_354 {strides = array<i32>} : memref<4096xf32, #tpu.memory_space<vmem>>, vector<16xf32>,
      %shift_right_arithmetic3A_355 = arith.constant 4 : i32
      %shift_right_arithmetic3A_356 = vector.broadcast %shift_right_arithmetic3A_355 : i32 to vector<16xi32>
      %shift_right_arithmetic3A_357 = arith.shrsi %or3A, %shift_right_arithmetic3A_356 : vector<16xi32>
      %and3A_358 = arith.constant 1 : i32
      %and3A_359 = vector.broadcast %and3A_358 : i32 to vector<16xi32>
      %and3A_360 = arith.andi %shift_right_arithmetic3A_357, %and3A_359 : vector<16xi32>
      %convert_element_type3A_361 = arith.sitofp %and3A_360 : vector<16xi32> to vector<16xf32>
      %mul3A_362 = arith.constant 1024 : i32
      %mul3A_363 = arith.muli %select_n3A, %mul3A_362 : i32
      %add3A_364 = arith.constant 896 : i32
      %add3A_365 = arith.addi %mul3A_363, %add3A_364 : i32
      %mul3A_366 = arith.constant 16 : i32
      %mul3A_367 = arith.muli %select_n3A_206, %mul3A_366 : i32
      %add3A_368 = arith.addi %add3A_365, %mul3A_367 : i32
      %swap3A_369 = arith.index_cast %add3A_368 : i32 to index
      %swap3A_370 = tpu.vector_load %arg13[%swap3A_369] {strides = array<i32>} : memref<4096xf32, #tpu.memory_space<vmem>>, vector<16xf32>,
      %swap3A_371 = vector.shape_cast %swap3A_370 : vector<16xf32> to vector<16xf32>
      %swap3A_372 = vector.shape_cast %convert_element_type3A_361 : vector<16xf32> to vector<16xf32>
      tpu.vector_store %arg13[%swap3A_369], %swap3A_372 {strides = array<i32>} : memref<4096xf32, #tpu.memory_space<vmem>>, vector<16xf32>,
    }
    %scan3A_101 = arith.constant 8 : i32
    %dma_wait3A_102 = arith.constant 128 : i32
    %dma_wait3A_103 = tpu.memref_slice %arg10[%dma_wait3A_102] : memref<512xi32, #tpu.memory_space<vmem>> -> memref<128xi32, #tpu.memory_space<vmem>>
    %dma_wait3A_104 = arith.constant 128 : i32
    %dma_wait3A_105 = tpu.memref_slice %arg7[%dma_wait3A_104] : memref<512xi32, #tpu.memory_space<vmem>> -> memref<128xi32, #tpu.memory_space<vmem>>
    %dma_wait3A_106 = arith.constant 0 : i32
    %dma_wait3A_107 = tpu.memref_slice %arg3[%dma_wait3A_106] : memref<1999872xi32, #tpu.memory_space<hbm>> -> memref<1999872xi32, #tpu.memory_space<hbm>>
    tpu.wait_indirect_dma semaphore(%arg14 : memref<!tpu.dma_semaphore, #tpu.memory_space<semaphore_mem>>) src(%dma_wait3A_107 : memref<1999872xi32, #tpu.memory_space<hbm>>) dst(%dma_wait3A_103 : memref<128xi32, #tpu.memory_space<vmem>>)
    %dma_wait3A_108 = arith.constant 128 : i32
    %dma_wait3A_109 = tpu.memref_slice %arg11[%dma_wait3A_108] : memref<512xi32, #tpu.memory_space<vmem>> -> memref<128xi32, #tpu.memory_space<vmem>>
    %dma_wait3A_110 = arith.constant 128 : i32
    %dma_wait3A_111 = tpu.memref_slice %arg8[%dma_wait3A_110] : memref<512xi32, #tpu.memory_space<vmem>> -> memref<128xi32, #tpu.memory_space<vmem>>
    %dma_wait3A_112 = arith.constant 0 : i32
    %dma_wait3A_113 = tpu.memref_slice %arg3[%dma_wait3A_112] : memref<1999872xi32, #tpu.memory_space<hbm>> -> memref<1999872xi32, #tpu.memory_space<hbm>>
    tpu.wait_indirect_dma semaphore(%arg14 : memref<!tpu.dma_semaphore, #tpu.memory_space<semaphore_mem>>) src(%dma_wait3A_113 : memref<1999872xi32, #tpu.memory_space<hbm>>) dst(%dma_wait3A_109 : memref<128xi32, #tpu.memory_space<vmem>>)
    %dma_wait3A_114 = arith.constant 128 : i32
    %dma_wait3A_115 = tpu.memref_slice %arg12[%dma_wait3A_114] : memref<512xi32, #tpu.memory_space<vmem>> -> memref<128xi32, #tpu.memory_space<vmem>>
    %dma_wait3A_116 = arith.constant 128 : i32
    %dma_wait3A_117 = tpu.memref_slice %arg9[%dma_wait3A_116] : memref<512xi32, #tpu.memory_space<vmem>> -> memref<128xi32, #tpu.memory_space<vmem>>
    %dma_wait3A_118 = arith.constant 0 : i32
    %dma_wait3A_119 = tpu.memref_slice %arg4[%dma_wait3A_118] : memref<4096xi32, #tpu.memory_space<hbm>> -> memref<4096xi32, #tpu.memory_space<hbm>>
    tpu.wait_indirect_dma semaphore(%arg14 : memref<!tpu.dma_semaphore, #tpu.memory_space<semaphore_mem>>) src(%dma_wait3A_119 : memref<4096xi32, #tpu.memory_space<hbm>>) dst(%dma_wait3A_115 : memref<128xi32, #tpu.memory_space<vmem>>)
    %scan3A_120 = arith.constant 0 : i32
    %scan3A_121 = arith.constant 8 : i32
    %scan3A_122 = arith.constant 8 : i32
    %scan3A_123 = arith.addi %scan3A_121, %scan3A_122 : i32
    %scan3A_124 = arith.constant 1 : i32
    scf.for %scan3A_176 = %scan3A_121 to %scan3A_123 step %scan3A_124  : i32 {
      %jit3A = arith.constant 8 : i32
      %div3A = arith.divsi %scan3A_176, %jit3A : i32
      %sign3A = arith.constant 0 : i32
      %sign3A_177 = arith.cmpi sgt, %scan3A_176, %sign3A : i32
      %sign3A_178 = arith.extui %sign3A_177 : i1 to i32
      %sign3A_179 = arith.constant 0 : i32
      %sign3A_180 = arith.cmpi slt, %scan3A_176, %sign3A_179 : i32
      %sign3A_181 = arith.extui %sign3A_180 : i1 to i32
      %sign3A_182 = arith.subi %sign3A_178, %sign3A_181 : i32
      %sign3A_183 = arith.constant 0 : i32
      %sign3A_184 = arith.cmpi sgt, %jit3A, %sign3A_183 : i32
      %sign3A_185 = arith.extui %sign3A_184 : i1 to i32
      %sign3A_186 = arith.constant 0 : i32
      %sign3A_187 = arith.cmpi slt, %jit3A, %sign3A_186 : i32
      %sign3A_188 = arith.extui %sign3A_187 : i1 to i32
      %sign3A_189 = arith.subi %sign3A_185, %sign3A_188 : i32
      %ne3A = arith.cmpi ne, %sign3A_182, %sign3A_189 : i32
      %rem3A = arith.remsi %scan3A_176, %jit3A : i32
      %ne3A_190 = arith.constant 0 : i32
      %ne3A_191 = arith.cmpi ne, %rem3A, %ne3A_190 : i32
      %and3A = arith.andi %ne3A, %ne3A_191 : i1
      %sub3A = arith.constant 1 : i32
      %sub3A_192 = arith.subi %div3A, %sub3A : i32
      %select_n3A = arith.select %and3A, %sub3A_192, %div3A : i32
      %jit3A_193 = arith.constant 8 : i32
      %eq3A = arith.constant 0 : i32
      %eq3A_194 = arith.cmpi eq, %jit3A_193, %eq3A : i32
      %jit3A_195 = arith.constant 1 : i32
      %select_n3A_196 = arith.select %eq3A_194, %jit3A_195, %jit3A_193 : i32
      %rem3A_197 = arith.remsi %scan3A_176, %select_n3A_196 : i32
      %ne3A_198 = arith.constant 0 : i32
      %ne3A_199 = arith.cmpi ne, %rem3A_197, %ne3A_198 : i32
      %lt3A = arith.constant 0 : i32
      %lt3A_200 = arith.cmpi slt, %rem3A_197, %lt3A : i32
      %lt3A_201 = arith.constant 0 : i32
      %lt3A_202 = arith.cmpi slt, %select_n3A_196, %lt3A_201 : i32
      %ne3A_203 = arith.xori %lt3A_200, %lt3A_202 : i1
      %and3A_204 = arith.andi %ne3A_203, %ne3A_199 : i1
      %add3A_205 = arith.addi %rem3A_197, %select_n3A_196 : i32
      %select_n3A_206 = arith.select %and3A_204, %add3A_205, %rem3A_197 : i32
      %mul3A_207 = arith.constant 16 : i32
      %mul3A_208 = arith.muli %scan3A_176, %mul3A_207 : i32
      %get3A = arith.index_cast %mul3A_208 : i32 to index
      %get3A_209 = tpu.vector_load %arg6[%get3A] {strides = array<i32>} : memref<512xi32, #tpu.memory_space<vmem>>, vector<16xi32>,
      %get3A_210 = vector.shape_cast %get3A_209 : vector<16xi32> to vector<16xi32>
      %ge3A = arith.constant 999936 : i32
      %ge3A_211 = vector.broadcast %ge3A : i32 to vector<16xi32>
      %ge3A_212 = arith.cmpi sge, %get3A_210, %ge3A_211 : vector<16xi32>
      %get3A_213 = arith.index_cast %mul3A_208 : i32 to index
      %get3A_214 = tpu.vector_load %arg12[%get3A_213] {strides = array<i32>} : memref<512xi32, #tpu.memory_space<vmem>>, vector<16xi32>,
      %get3A_215 = vector.shape_cast %get3A_214 : vector<16xi32> to vector<16xi32>
      %and3A_216 = arith.constant 15 : i32
      %and3A_217 = vector.broadcast %and3A_216 : i32 to vector<16xi32>
      %and3A_218 = arith.andi %get3A_215, %and3A_217 : vector<16xi32>
      %get3A_219 = arith.index_cast %mul3A_208 : i32 to index
      %get3A_220 = tpu.vector_load %arg10[%get3A_219] {strides = array<i32>} : memref<512xi32, #tpu.memory_space<vmem>>, vector<16xi32>,
      %get3A_221 = vector.shape_cast %get3A_220 : vector<16xi32> to vector<16xi32>
      %select_n3A_222 = arith.select %ge3A_212, %and3A_218, %get3A_221 : vector<16xi1>, vector<16xi32>
      %shift_right_arithmetic3A = arith.constant 4 : i32
      %shift_right_arithmetic3A_223 = vector.broadcast %shift_right_arithmetic3A : i32 to vector<16xi32>
      %shift_right_arithmetic3A_224 = arith.shrsi %get3A_215, %shift_right_arithmetic3A_223 : vector<16xi32>
      %get3A_225 = arith.index_cast %mul3A_208 : i32 to index
      %get3A_226 = tpu.vector_load %arg11[%get3A_225] {strides = array<i32>} : memref<512xi32, #tpu.memory_space<vmem>>, vector<16xi32>,
      %get3A_227 = vector.shape_cast %get3A_226 : vector<16xi32> to vector<16xi32>
      %select_n3A_228 = arith.select %ge3A_212, %shift_right_arithmetic3A_224, %get3A_227 : vector<16xi1>, vector<16xi32>
      %shift_left3A = arith.constant 4 : i32
      %shift_left3A_229 = vector.broadcast %shift_left3A : i32 to vector<16xi32>
      %shift_left3A_230 = arith.shli %select_n3A_228, %shift_left3A_229 : vector<16xi32>
      %or3A = arith.ori %select_n3A_222, %shift_left3A_230 : vector<16xi32>
      %shift_right_arithmetic3A_231 = arith.constant 3 : i32
      %shift_right_arithmetic3A_232 = vector.broadcast %shift_right_arithmetic3A_231 : i32 to vector<16xi32>
      %shift_right_arithmetic3A_233 = arith.shrsi %or3A, %shift_right_arithmetic3A_232 : vector<16xi32>
      %and3A_234 = arith.constant 1 : i32
      %and3A_235 = vector.broadcast %and3A_234 : i32 to vector<16xi32>
      %and3A_236 = arith.andi %shift_right_arithmetic3A_233, %and3A_235 : vector<16xi32>
      %convert_element_type3A = arith.sitofp %and3A_236 : vector<16xi32> to vector<16xf32>
      %mul3A_237 = arith.constant 1024 : i32
      %mul3A_238 = arith.muli %select_n3A, %mul3A_237 : i32
      %add3A_239 = arith.constant 0 : i32
      %add3A_240 = arith.addi %mul3A_238, %add3A_239 : i32
      %mul3A_241 = arith.constant 16 : i32
      %mul3A_242 = arith.muli %select_n3A_206, %mul3A_241 : i32
      %add3A_243 = arith.addi %add3A_240, %mul3A_242 : i32
      %swap3A = arith.index_cast %add3A_243 : i32 to index
      %swap3A_244 = tpu.vector_load %arg13[%swap3A] {strides = array<i32>} : memref<4096xf32, #tpu.memory_space<vmem>>, vector<16xf32>,
      %swap3A_245 = vector.shape_cast %swap3A_244 : vector<16xf32> to vector<16xf32>
      %swap3A_246 = vector.shape_cast %convert_element_type3A : vector<16xf32> to vector<16xf32>
      tpu.vector_store %arg13[%swap3A], %swap3A_246 {strides = array<i32>} : memref<4096xf32, #tpu.memory_space<vmem>>, vector<16xf32>,
      %shift_right_arithmetic3A_247 = arith.constant 2 : i32
      %shift_right_arithmetic3A_248 = vector.broadcast %shift_right_arithmetic3A_247 : i32 to vector<16xi32>
      %shift_right_arithmetic3A_249 = arith.shrsi %or3A, %shift_right_arithmetic3A_248 : vector<16xi32>
      %and3A_250 = arith.constant 1 : i32
      %and3A_251 = vector.broadcast %and3A_250 : i32 to vector<16xi32>
      %and3A_252 = arith.andi %shift_right_arithmetic3A_249, %and3A_251 : vector<16xi32>
      %convert_element_type3A_253 = arith.sitofp %and3A_252 : vector<16xi32> to vector<16xf32>
      %mul3A_254 = arith.constant 1024 : i32
      %mul3A_255 = arith.muli %select_n3A, %mul3A_254 : i32
      %add3A_256 = arith.constant 128 : i32
      %add3A_257 = arith.addi %mul3A_255, %add3A_256 : i32
      %mul3A_258 = arith.constant 16 : i32
      %mul3A_259 = arith.muli %select_n3A_206, %mul3A_258 : i32
      %add3A_260 = arith.addi %add3A_257, %mul3A_259 : i32
      %swap3A_261 = arith.index_cast %add3A_260 : i32 to index
      %swap3A_262 = tpu.vector_load %arg13[%swap3A_261] {strides = array<i32>} : memref<4096xf32, #tpu.memory_space<vmem>>, vector<16xf32>,
      %swap3A_263 = vector.shape_cast %swap3A_262 : vector<16xf32> to vector<16xf32>
      %swap3A_264 = vector.shape_cast %convert_element_type3A_253 : vector<16xf32> to vector<16xf32>
      tpu.vector_store %arg13[%swap3A_261], %swap3A_264 {strides = array<i32>} : memref<4096xf32, #tpu.memory_space<vmem>>, vector<16xf32>,
      %shift_right_arithmetic3A_265 = arith.constant 1 : i32
      %shift_right_arithmetic3A_266 = vector.broadcast %shift_right_arithmetic3A_265 : i32 to vector<16xi32>
      %shift_right_arithmetic3A_267 = arith.shrsi %or3A, %shift_right_arithmetic3A_266 : vector<16xi32>
      %and3A_268 = arith.constant 1 : i32
      %and3A_269 = vector.broadcast %and3A_268 : i32 to vector<16xi32>
      %and3A_270 = arith.andi %shift_right_arithmetic3A_267, %and3A_269 : vector<16xi32>
      %convert_element_type3A_271 = arith.sitofp %and3A_270 : vector<16xi32> to vector<16xf32>
      %mul3A_272 = arith.constant 1024 : i32
      %mul3A_273 = arith.muli %select_n3A, %mul3A_272 : i32
      %add3A_274 = arith.constant 256 : i32
      %add3A_275 = arith.addi %mul3A_273, %add3A_274 : i32
      %mul3A_276 = arith.constant 16 : i32
      %mul3A_277 = arith.muli %select_n3A_206, %mul3A_276 : i32
      %add3A_278 = arith.addi %add3A_275, %mul3A_277 : i32
      %swap3A_279 = arith.index_cast %add3A_278 : i32 to index
      %swap3A_280 = tpu.vector_load %arg13[%swap3A_279] {strides = array<i32>} : memref<4096xf32, #tpu.memory_space<vmem>>, vector<16xf32>,
      %swap3A_281 = vector.shape_cast %swap3A_280 : vector<16xf32> to vector<16xf32>
      %swap3A_282 = vector.shape_cast %convert_element_type3A_271 : vector<16xf32> to vector<16xf32>
      tpu.vector_store %arg13[%swap3A_279], %swap3A_282 {strides = array<i32>} : memref<4096xf32, #tpu.memory_space<vmem>>, vector<16xf32>,
      %shift_right_arithmetic3A_283 = arith.constant 0 : i32
      %shift_right_arithmetic3A_284 = vector.broadcast %shift_right_arithmetic3A_283 : i32 to vector<16xi32>
      %shift_right_arithmetic3A_285 = arith.shrsi %or3A, %shift_right_arithmetic3A_284 : vector<16xi32>
      %and3A_286 = arith.constant 1 : i32
      %and3A_287 = vector.broadcast %and3A_286 : i32 to vector<16xi32>
      %and3A_288 = arith.andi %shift_right_arithmetic3A_285, %and3A_287 : vector<16xi32>
      %convert_element_type3A_289 = arith.sitofp %and3A_288 : vector<16xi32> to vector<16xf32>
      %mul3A_290 = arith.constant 1024 : i32
      %mul3A_291 = arith.muli %select_n3A, %mul3A_290 : i32
      %add3A_292 = arith.constant 384 : i32
      %add3A_293 = arith.addi %mul3A_291, %add3A_292 : i32
      %mul3A_294 = arith.constant 16 : i32
      %mul3A_295 = arith.muli %select_n3A_206, %mul3A_294 : i32
      %add3A_296 = arith.addi %add3A_293, %mul3A_295 : i32
      %swap3A_297 = arith.index_cast %add3A_296 : i32 to index
      %swap3A_298 = tpu.vector_load %arg13[%swap3A_297] {strides = array<i32>} : memref<4096xf32, #tpu.memory_space<vmem>>, vector<16xf32>,
      %swap3A_299 = vector.shape_cast %swap3A_298 : vector<16xf32> to vector<16xf32>
      %swap3A_300 = vector.shape_cast %convert_element_type3A_289 : vector<16xf32> to vector<16xf32>
      tpu.vector_store %arg13[%swap3A_297], %swap3A_300 {strides = array<i32>} : memref<4096xf32, #tpu.memory_space<vmem>>, vector<16xf32>,
      %shift_right_arithmetic3A_301 = arith.constant 7 : i32
      %shift_right_arithmetic3A_302 = vector.broadcast %shift_right_arithmetic3A_301 : i32 to vector<16xi32>
      %shift_right_arithmetic3A_303 = arith.shrsi %or3A, %shift_right_arithmetic3A_302 : vector<16xi32>
      %and3A_304 = arith.constant 1 : i32
      %and3A_305 = vector.broadcast %and3A_304 : i32 to vector<16xi32>
      %and3A_306 = arith.andi %shift_right_arithmetic3A_303, %and3A_305 : vector<16xi32>
      %convert_element_type3A_307 = arith.sitofp %and3A_306 : vector<16xi32> to vector<16xf32>
      %mul3A_308 = arith.constant 1024 : i32
      %mul3A_309 = arith.muli %select_n3A, %mul3A_308 : i32
      %add3A_310 = arith.constant 512 : i32
      %add3A_311 = arith.addi %mul3A_309, %add3A_310 : i32
      %mul3A_312 = arith.constant 16 : i32
      %mul3A_313 = arith.muli %select_n3A_206, %mul3A_312 : i32
      %add3A_314 = arith.addi %add3A_311, %mul3A_313 : i32
      %swap3A_315 = arith.index_cast %add3A_314 : i32 to index
      %swap3A_316 = tpu.vector_load %arg13[%swap3A_315] {strides = array<i32>} : memref<4096xf32, #tpu.memory_space<vmem>>, vector<16xf32>,
      %swap3A_317 = vector.shape_cast %swap3A_316 : vector<16xf32> to vector<16xf32>
      %swap3A_318 = vector.shape_cast %convert_element_type3A_307 : vector<16xf32> to vector<16xf32>
      tpu.vector_store %arg13[%swap3A_315], %swap3A_318 {strides = array<i32>} : memref<4096xf32, #tpu.memory_space<vmem>>, vector<16xf32>,
      %shift_right_arithmetic3A_319 = arith.constant 6 : i32
      %shift_right_arithmetic3A_320 = vector.broadcast %shift_right_arithmetic3A_319 : i32 to vector<16xi32>
      %shift_right_arithmetic3A_321 = arith.shrsi %or3A, %shift_right_arithmetic3A_320 : vector<16xi32>
      %and3A_322 = arith.constant 1 : i32
      %and3A_323 = vector.broadcast %and3A_322 : i32 to vector<16xi32>
      %and3A_324 = arith.andi %shift_right_arithmetic3A_321, %and3A_323 : vector<16xi32>
      %convert_element_type3A_325 = arith.sitofp %and3A_324 : vector<16xi32> to vector<16xf32>
      %mul3A_326 = arith.constant 1024 : i32
      %mul3A_327 = arith.muli %select_n3A, %mul3A_326 : i32
      %add3A_328 = arith.constant 640 : i32
      %add3A_329 = arith.addi %mul3A_327, %add3A_328 : i32
      %mul3A_330 = arith.constant 16 : i32
      %mul3A_331 = arith.muli %select_n3A_206, %mul3A_330 : i32
      %add3A_332 = arith.addi %add3A_329, %mul3A_331 : i32
      %swap3A_333 = arith.index_cast %add3A_332 : i32 to index
      %swap3A_334 = tpu.vector_load %arg13[%swap3A_333] {strides = array<i32>} : memref<4096xf32, #tpu.memory_space<vmem>>, vector<16xf32>,
      %swap3A_335 = vector.shape_cast %swap3A_334 : vector<16xf32> to vector<16xf32>
      %swap3A_336 = vector.shape_cast %convert_element_type3A_325 : vector<16xf32> to vector<16xf32>
      tpu.vector_store %arg13[%swap3A_333], %swap3A_336 {strides = array<i32>} : memref<4096xf32, #tpu.memory_space<vmem>>, vector<16xf32>,
      %shift_right_arithmetic3A_337 = arith.constant 5 : i32
      %shift_right_arithmetic3A_338 = vector.broadcast %shift_right_arithmetic3A_337 : i32 to vector<16xi32>
      %shift_right_arithmetic3A_339 = arith.shrsi %or3A, %shift_right_arithmetic3A_338 : vector<16xi32>
      %and3A_340 = arith.constant 1 : i32
      %and3A_341 = vector.broadcast %and3A_340 : i32 to vector<16xi32>
      %and3A_342 = arith.andi %shift_right_arithmetic3A_339, %and3A_341 : vector<16xi32>
      %convert_element_type3A_343 = arith.sitofp %and3A_342 : vector<16xi32> to vector<16xf32>
      %mul3A_344 = arith.constant 1024 : i32
      %mul3A_345 = arith.muli %select_n3A, %mul3A_344 : i32
      %add3A_346 = arith.constant 768 : i32
      %add3A_347 = arith.addi %mul3A_345, %add3A_346 : i32
      %mul3A_348 = arith.constant 16 : i32
      %mul3A_349 = arith.muli %select_n3A_206, %mul3A_348 : i32
      %add3A_350 = arith.addi %add3A_347, %mul3A_349 : i32
      %swap3A_351 = arith.index_cast %add3A_350 : i32 to index
      %swap3A_352 = tpu.vector_load %arg13[%swap3A_351] {strides = array<i32>} : memref<4096xf32, #tpu.memory_space<vmem>>, vector<16xf32>,
      %swap3A_353 = vector.shape_cast %swap3A_352 : vector<16xf32> to vector<16xf32>
      %swap3A_354 = vector.shape_cast %convert_element_type3A_343 : vector<16xf32> to vector<16xf32>
      tpu.vector_store %arg13[%swap3A_351], %swap3A_354 {strides = array<i32>} : memref<4096xf32, #tpu.memory_space<vmem>>, vector<16xf32>,
      %shift_right_arithmetic3A_355 = arith.constant 4 : i32
      %shift_right_arithmetic3A_356 = vector.broadcast %shift_right_arithmetic3A_355 : i32 to vector<16xi32>
      %shift_right_arithmetic3A_357 = arith.shrsi %or3A, %shift_right_arithmetic3A_356 : vector<16xi32>
      %and3A_358 = arith.constant 1 : i32
      %and3A_359 = vector.broadcast %and3A_358 : i32 to vector<16xi32>
      %and3A_360 = arith.andi %shift_right_arithmetic3A_357, %and3A_359 : vector<16xi32>
      %convert_element_type3A_361 = arith.sitofp %and3A_360 : vector<16xi32> to vector<16xf32>
      %mul3A_362 = arith.constant 1024 : i32
      %mul3A_363 = arith.muli %select_n3A, %mul3A_362 : i32
      %add3A_364 = arith.constant 896 : i32
      %add3A_365 = arith.addi %mul3A_363, %add3A_364 : i32
      %mul3A_366 = arith.constant 16 : i32
      %mul3A_367 = arith.muli %select_n3A_206, %mul3A_366 : i32
      %add3A_368 = arith.addi %add3A_365, %mul3A_367 : i32
      %swap3A_369 = arith.index_cast %add3A_368 : i32 to index
      %swap3A_370 = tpu.vector_load %arg13[%swap3A_369] {strides = array<i32>} : memref<4096xf32, #tpu.memory_space<vmem>>, vector<16xf32>,
      %swap3A_371 = vector.shape_cast %swap3A_370 : vector<16xf32> to vector<16xf32>
      %swap3A_372 = vector.shape_cast %convert_element_type3A_361 : vector<16xf32> to vector<16xf32>
      tpu.vector_store %arg13[%swap3A_369], %swap3A_372 {strides = array<i32>} : memref<4096xf32, #tpu.memory_space<vmem>>, vector<16xf32>,
    }
    %scan3A_125 = arith.constant 8 : i32
    %dma_wait3A_126 = arith.constant 256 : i32
    %dma_wait3A_127 = tpu.memref_slice %arg10[%dma_wait3A_126] : memref<512xi32, #tpu.memory_space<vmem>> -> memref<128xi32, #tpu.memory_space<vmem>>
    %dma_wait3A_128 = arith.constant 256 : i32
    %dma_wait3A_129 = tpu.memref_slice %arg7[%dma_wait3A_128] : memref<512xi32, #tpu.memory_space<vmem>> -> memref<128xi32, #tpu.memory_space<vmem>>
    %dma_wait3A_130 = arith.constant 0 : i32
    %dma_wait3A_131 = tpu.memref_slice %arg3[%dma_wait3A_130] : memref<1999872xi32, #tpu.memory_space<hbm>> -> memref<1999872xi32, #tpu.memory_space<hbm>>
    tpu.wait_indirect_dma semaphore(%arg14 : memref<!tpu.dma_semaphore, #tpu.memory_space<semaphore_mem>>) src(%dma_wait3A_131 : memref<1999872xi32, #tpu.memory_space<hbm>>) dst(%dma_wait3A_127 : memref<128xi32, #tpu.memory_space<vmem>>)
    %dma_wait3A_132 = arith.constant 256 : i32
    %dma_wait3A_133 = tpu.memref_slice %arg11[%dma_wait3A_132] : memref<512xi32, #tpu.memory_space<vmem>> -> memref<128xi32, #tpu.memory_space<vmem>>
    %dma_wait3A_134 = arith.constant 256 : i32
    %dma_wait3A_135 = tpu.memref_slice %arg8[%dma_wait3A_134] : memref<512xi32, #tpu.memory_space<vmem>> -> memref<128xi32, #tpu.memory_space<vmem>>
    %dma_wait3A_136 = arith.constant 0 : i32
    %dma_wait3A_137 = tpu.memref_slice %arg3[%dma_wait3A_136] : memref<1999872xi32, #tpu.memory_space<hbm>> -> memref<1999872xi32, #tpu.memory_space<hbm>>
    tpu.wait_indirect_dma semaphore(%arg14 : memref<!tpu.dma_semaphore, #tpu.memory_space<semaphore_mem>>) src(%dma_wait3A_137 : memref<1999872xi32, #tpu.memory_space<hbm>>) dst(%dma_wait3A_133 : memref<128xi32, #tpu.memory_space<vmem>>)
    %dma_wait3A_138 = arith.constant 256 : i32
    %dma_wait3A_139 = tpu.memref_slice %arg12[%dma_wait3A_138] : memref<512xi32, #tpu.memory_space<vmem>> -> memref<128xi32, #tpu.memory_space<vmem>>
    %dma_wait3A_140 = arith.constant 256 : i32
    %dma_wait3A_141 = tpu.memref_slice %arg9[%dma_wait3A_140] : memref<512xi32, #tpu.memory_space<vmem>> -> memref<128xi32, #tpu.memory_space<vmem>>
    %dma_wait3A_142 = arith.constant 0 : i32
    %dma_wait3A_143 = tpu.memref_slice %arg4[%dma_wait3A_142] : memref<4096xi32, #tpu.memory_space<hbm>> -> memref<4096xi32, #tpu.memory_space<hbm>>
    tpu.wait_indirect_dma semaphore(%arg14 : memref<!tpu.dma_semaphore, #tpu.memory_space<semaphore_mem>>) src(%dma_wait3A_143 : memref<4096xi32, #tpu.memory_space<hbm>>) dst(%dma_wait3A_139 : memref<128xi32, #tpu.memory_space<vmem>>)
    %scan3A_144 = arith.constant 0 : i32
    %scan3A_145 = arith.constant 16 : i32
    %scan3A_146 = arith.constant 8 : i32
    %scan3A_147 = arith.addi %scan3A_145, %scan3A_146 : i32
    %scan3A_148 = arith.constant 1 : i32
    scf.for %scan3A_176 = %scan3A_145 to %scan3A_147 step %scan3A_148  : i32 {
      %jit3A = arith.constant 8 : i32
      %div3A = arith.divsi %scan3A_176, %jit3A : i32
      %sign3A = arith.constant 0 : i32
      %sign3A_177 = arith.cmpi sgt, %scan3A_176, %sign3A : i32
      %sign3A_178 = arith.extui %sign3A_177 : i1 to i32
      %sign3A_179 = arith.constant 0 : i32
      %sign3A_180 = arith.cmpi slt, %scan3A_176, %sign3A_179 : i32
      %sign3A_181 = arith.extui %sign3A_180 : i1 to i32
      %sign3A_182 = arith.subi %sign3A_178, %sign3A_181 : i32
      %sign3A_183 = arith.constant 0 : i32
      %sign3A_184 = arith.cmpi sgt, %jit3A, %sign3A_183 : i32
      %sign3A_185 = arith.extui %sign3A_184 : i1 to i32
      %sign3A_186 = arith.constant 0 : i32
      %sign3A_187 = arith.cmpi slt, %jit3A, %sign3A_186 : i32
      %sign3A_188 = arith.extui %sign3A_187 : i1 to i32
      %sign3A_189 = arith.subi %sign3A_185, %sign3A_188 : i32
      %ne3A = arith.cmpi ne, %sign3A_182, %sign3A_189 : i32
      %rem3A = arith.remsi %scan3A_176, %jit3A : i32
      %ne3A_190 = arith.constant 0 : i32
      %ne3A_191 = arith.cmpi ne, %rem3A, %ne3A_190 : i32
      %and3A = arith.andi %ne3A, %ne3A_191 : i1
      %sub3A = arith.constant 1 : i32
      %sub3A_192 = arith.subi %div3A, %sub3A : i32
      %select_n3A = arith.select %and3A, %sub3A_192, %div3A : i32
      %jit3A_193 = arith.constant 8 : i32
      %eq3A = arith.constant 0 : i32
      %eq3A_194 = arith.cmpi eq, %jit3A_193, %eq3A : i32
      %jit3A_195 = arith.constant 1 : i32
      %select_n3A_196 = arith.select %eq3A_194, %jit3A_195, %jit3A_193 : i32
      %rem3A_197 = arith.remsi %scan3A_176, %select_n3A_196 : i32
      %ne3A_198 = arith.constant 0 : i32
      %ne3A_199 = arith.cmpi ne, %rem3A_197, %ne3A_198 : i32
      %lt3A = arith.constant 0 : i32
      %lt3A_200 = arith.cmpi slt, %rem3A_197, %lt3A : i32
      %lt3A_201 = arith.constant 0 : i32
      %lt3A_202 = arith.cmpi slt, %select_n3A_196, %lt3A_201 : i32
      %ne3A_203 = arith.xori %lt3A_200, %lt3A_202 : i1
      %and3A_204 = arith.andi %ne3A_203, %ne3A_199 : i1
      %add3A_205 = arith.addi %rem3A_197, %select_n3A_196 : i32
      %select_n3A_206 = arith.select %and3A_204, %add3A_205, %rem3A_197 : i32
      %mul3A_207 = arith.constant 16 : i32
      %mul3A_208 = arith.muli %scan3A_176, %mul3A_207 : i32
      %get3A = arith.index_cast %mul3A_208 : i32 to index
      %get3A_209 = tpu.vector_load %arg6[%get3A] {strides = array<i32>} : memref<512xi32, #tpu.memory_space<vmem>>, vector<16xi32>,
      %get3A_210 = vector.shape_cast %get3A_209 : vector<16xi32> to vector<16xi32>
      %ge3A = arith.constant 999936 : i32
      %ge3A_211 = vector.broadcast %ge3A : i32 to vector<16xi32>
      %ge3A_212 = arith.cmpi sge, %get3A_210, %ge3A_211 : vector<16xi32>
      %get3A_213 = arith.index_cast %mul3A_208 : i32 to index
      %get3A_214 = tpu.vector_load %arg12[%get3A_213] {strides = array<i32>} : memref<512xi32, #tpu.memory_space<vmem>>, vector<16xi32>,
      %get3A_215 = vector.shape_cast %get3A_214 : vector<16xi32> to vector<16xi32>
      %and3A_216 = arith.constant 15 : i32
      %and3A_217 = vector.broadcast %and3A_216 : i32 to vector<16xi32>
      %and3A_218 = arith.andi %get3A_215, %and3A_217 : vector<16xi32>
      %get3A_219 = arith.index_cast %mul3A_208 : i32 to index
      %get3A_220 = tpu.vector_load %arg10[%get3A_219] {strides = array<i32>} : memref<512xi32, #tpu.memory_space<vmem>>, vector<16xi32>,
      %get3A_221 = vector.shape_cast %get3A_220 : vector<16xi32> to vector<16xi32>
      %select_n3A_222 = arith.select %ge3A_212, %and3A_218, %get3A_221 : vector<16xi1>, vector<16xi32>
      %shift_right_arithmetic3A = arith.constant 4 : i32
      %shift_right_arithmetic3A_223 = vector.broadcast %shift_right_arithmetic3A : i32 to vector<16xi32>
      %shift_right_arithmetic3A_224 = arith.shrsi %get3A_215, %shift_right_arithmetic3A_223 : vector<16xi32>
      %get3A_225 = arith.index_cast %mul3A_208 : i32 to index
      %get3A_226 = tpu.vector_load %arg11[%get3A_225] {strides = array<i32>} : memref<512xi32, #tpu.memory_space<vmem>>, vector<16xi32>,
      %get3A_227 = vector.shape_cast %get3A_226 : vector<16xi32> to vector<16xi32>
      %select_n3A_228 = arith.select %ge3A_212, %shift_right_arithmetic3A_224, %get3A_227 : vector<16xi1>, vector<16xi32>
      %shift_left3A = arith.constant 4 : i32
      %shift_left3A_229 = vector.broadcast %shift_left3A : i32 to vector<16xi32>
      %shift_left3A_230 = arith.shli %select_n3A_228, %shift_left3A_229 : vector<16xi32>
      %or3A = arith.ori %select_n3A_222, %shift_left3A_230 : vector<16xi32>
      %shift_right_arithmetic3A_231 = arith.constant 3 : i32
      %shift_right_arithmetic3A_232 = vector.broadcast %shift_right_arithmetic3A_231 : i32 to vector<16xi32>
      %shift_right_arithmetic3A_233 = arith.shrsi %or3A, %shift_right_arithmetic3A_232 : vector<16xi32>
      %and3A_234 = arith.constant 1 : i32
      %and3A_235 = vector.broadcast %and3A_234 : i32 to vector<16xi32>
      %and3A_236 = arith.andi %shift_right_arithmetic3A_233, %and3A_235 : vector<16xi32>
      %convert_element_type3A = arith.sitofp %and3A_236 : vector<16xi32> to vector<16xf32>
      %mul3A_237 = arith.constant 1024 : i32
      %mul3A_238 = arith.muli %select_n3A, %mul3A_237 : i32
      %add3A_239 = arith.constant 0 : i32
      %add3A_240 = arith.addi %mul3A_238, %add3A_239 : i32
      %mul3A_241 = arith.constant 16 : i32
      %mul3A_242 = arith.muli %select_n3A_206, %mul3A_241 : i32
      %add3A_243 = arith.addi %add3A_240, %mul3A_242 : i32
      %swap3A = arith.index_cast %add3A_243 : i32 to index
      %swap3A_244 = tpu.vector_load %arg13[%swap3A] {strides = array<i32>} : memref<4096xf32, #tpu.memory_space<vmem>>, vector<16xf32>,
      %swap3A_245 = vector.shape_cast %swap3A_244 : vector<16xf32> to vector<16xf32>
      %swap3A_246 = vector.shape_cast %convert_element_type3A : vector<16xf32> to vector<16xf32>
      tpu.vector_store %arg13[%swap3A], %swap3A_246 {strides = array<i32>} : memref<4096xf32, #tpu.memory_space<vmem>>, vector<16xf32>,
      %shift_right_arithmetic3A_247 = arith.constant 2 : i32
      %shift_right_arithmetic3A_248 = vector.broadcast %shift_right_arithmetic3A_247 : i32 to vector<16xi32>
      %shift_right_arithmetic3A_249 = arith.shrsi %or3A, %shift_right_arithmetic3A_248 : vector<16xi32>
      %and3A_250 = arith.constant 1 : i32
      %and3A_251 = vector.broadcast %and3A_250 : i32 to vector<16xi32>
      %and3A_252 = arith.andi %shift_right_arithmetic3A_249, %and3A_251 : vector<16xi32>
      %convert_element_type3A_253 = arith.sitofp %and3A_252 : vector<16xi32> to vector<16xf32>
      %mul3A_254 = arith.constant 1024 : i32
      %mul3A_255 = arith.muli %select_n3A, %mul3A_254 : i32
      %add3A_256 = arith.constant 128 : i32
      %add3A_257 = arith.addi %mul3A_255, %add3A_256 : i32
      %mul3A_258 = arith.constant 16 : i32
      %mul3A_259 = arith.muli %select_n3A_206, %mul3A_258 : i32
      %add3A_260 = arith.addi %add3A_257, %mul3A_259 : i32
      %swap3A_261 = arith.index_cast %add3A_260 : i32 to index
      %swap3A_262 = tpu.vector_load %arg13[%swap3A_261] {strides = array<i32>} : memref<4096xf32, #tpu.memory_space<vmem>>, vector<16xf32>,
      %swap3A_263 = vector.shape_cast %swap3A_262 : vector<16xf32> to vector<16xf32>
      %swap3A_264 = vector.shape_cast %convert_element_type3A_253 : vector<16xf32> to vector<16xf32>
      tpu.vector_store %arg13[%swap3A_261], %swap3A_264 {strides = array<i32>} : memref<4096xf32, #tpu.memory_space<vmem>>, vector<16xf32>,
      %shift_right_arithmetic3A_265 = arith.constant 1 : i32
      %shift_right_arithmetic3A_266 = vector.broadcast %shift_right_arithmetic3A_265 : i32 to vector<16xi32>
      %shift_right_arithmetic3A_267 = arith.shrsi %or3A, %shift_right_arithmetic3A_266 : vector<16xi32>
      %and3A_268 = arith.constant 1 : i32
      %and3A_269 = vector.broadcast %and3A_268 : i32 to vector<16xi32>
      %and3A_270 = arith.andi %shift_right_arithmetic3A_267, %and3A_269 : vector<16xi32>
      %convert_element_type3A_271 = arith.sitofp %and3A_270 : vector<16xi32> to vector<16xf32>
      %mul3A_272 = arith.constant 1024 : i32
      %mul3A_273 = arith.muli %select_n3A, %mul3A_272 : i32
      %add3A_274 = arith.constant 256 : i32
      %add3A_275 = arith.addi %mul3A_273, %add3A_274 : i32
      %mul3A_276 = arith.constant 16 : i32
      %mul3A_277 = arith.muli %select_n3A_206, %mul3A_276 : i32
      %add3A_278 = arith.addi %add3A_275, %mul3A_277 : i32
      %swap3A_279 = arith.index_cast %add3A_278 : i32 to index
      %swap3A_280 = tpu.vector_load %arg13[%swap3A_279] {strides = array<i32>} : memref<4096xf32, #tpu.memory_space<vmem>>, vector<16xf32>,
      %swap3A_281 = vector.shape_cast %swap3A_280 : vector<16xf32> to vector<16xf32>
      %swap3A_282 = vector.shape_cast %convert_element_type3A_271 : vector<16xf32> to vector<16xf32>
      tpu.vector_store %arg13[%swap3A_279], %swap3A_282 {strides = array<i32>} : memref<4096xf32, #tpu.memory_space<vmem>>, vector<16xf32>,
      %shift_right_arithmetic3A_283 = arith.constant 0 : i32
      %shift_right_arithmetic3A_284 = vector.broadcast %shift_right_arithmetic3A_283 : i32 to vector<16xi32>
      %shift_right_arithmetic3A_285 = arith.shrsi %or3A, %shift_right_arithmetic3A_284 : vector<16xi32>
      %and3A_286 = arith.constant 1 : i32
      %and3A_287 = vector.broadcast %and3A_286 : i32 to vector<16xi32>
      %and3A_288 = arith.andi %shift_right_arithmetic3A_285, %and3A_287 : vector<16xi32>
      %convert_element_type3A_289 = arith.sitofp %and3A_288 : vector<16xi32> to vector<16xf32>
      %mul3A_290 = arith.constant 1024 : i32
      %mul3A_291 = arith.muli %select_n3A, %mul3A_290 : i32
      %add3A_292 = arith.constant 384 : i32
      %add3A_293 = arith.addi %mul3A_291, %add3A_292 : i32
      %mul3A_294 = arith.constant 16 : i32
      %mul3A_295 = arith.muli %select_n3A_206, %mul3A_294 : i32
      %add3A_296 = arith.addi %add3A_293, %mul3A_295 : i32
      %swap3A_297 = arith.index_cast %add3A_296 : i32 to index
      %swap3A_298 = tpu.vector_load %arg13[%swap3A_297] {strides = array<i32>} : memref<4096xf32, #tpu.memory_space<vmem>>, vector<16xf32>,
      %swap3A_299 = vector.shape_cast %swap3A_298 : vector<16xf32> to vector<16xf32>
      %swap3A_300 = vector.shape_cast %convert_element_type3A_289 : vector<16xf32> to vector<16xf32>
      tpu.vector_store %arg13[%swap3A_297], %swap3A_300 {strides = array<i32>} : memref<4096xf32, #tpu.memory_space<vmem>>, vector<16xf32>,
      %shift_right_arithmetic3A_301 = arith.constant 7 : i32
      %shift_right_arithmetic3A_302 = vector.broadcast %shift_right_arithmetic3A_301 : i32 to vector<16xi32>
      %shift_right_arithmetic3A_303 = arith.shrsi %or3A, %shift_right_arithmetic3A_302 : vector<16xi32>
      %and3A_304 = arith.constant 1 : i32
      %and3A_305 = vector.broadcast %and3A_304 : i32 to vector<16xi32>
      %and3A_306 = arith.andi %shift_right_arithmetic3A_303, %and3A_305 : vector<16xi32>
      %convert_element_type3A_307 = arith.sitofp %and3A_306 : vector<16xi32> to vector<16xf32>
      %mul3A_308 = arith.constant 1024 : i32
      %mul3A_309 = arith.muli %select_n3A, %mul3A_308 : i32
      %add3A_310 = arith.constant 512 : i32
      %add3A_311 = arith.addi %mul3A_309, %add3A_310 : i32
      %mul3A_312 = arith.constant 16 : i32
      %mul3A_313 = arith.muli %select_n3A_206, %mul3A_312 : i32
      %add3A_314 = arith.addi %add3A_311, %mul3A_313 : i32
      %swap3A_315 = arith.index_cast %add3A_314 : i32 to index
      %swap3A_316 = tpu.vector_load %arg13[%swap3A_315] {strides = array<i32>} : memref<4096xf32, #tpu.memory_space<vmem>>, vector<16xf32>,
      %swap3A_317 = vector.shape_cast %swap3A_316 : vector<16xf32> to vector<16xf32>
      %swap3A_318 = vector.shape_cast %convert_element_type3A_307 : vector<16xf32> to vector<16xf32>
      tpu.vector_store %arg13[%swap3A_315], %swap3A_318 {strides = array<i32>} : memref<4096xf32, #tpu.memory_space<vmem>>, vector<16xf32>,
      %shift_right_arithmetic3A_319 = arith.constant 6 : i32
      %shift_right_arithmetic3A_320 = vector.broadcast %shift_right_arithmetic3A_319 : i32 to vector<16xi32>
      %shift_right_arithmetic3A_321 = arith.shrsi %or3A, %shift_right_arithmetic3A_320 : vector<16xi32>
      %and3A_322 = arith.constant 1 : i32
      %and3A_323 = vector.broadcast %and3A_322 : i32 to vector<16xi32>
      %and3A_324 = arith.andi %shift_right_arithmetic3A_321, %and3A_323 : vector<16xi32>
      %convert_element_type3A_325 = arith.sitofp %and3A_324 : vector<16xi32> to vector<16xf32>
      %mul3A_326 = arith.constant 1024 : i32
      %mul3A_327 = arith.muli %select_n3A, %mul3A_326 : i32
      %add3A_328 = arith.constant 640 : i32
      %add3A_329 = arith.addi %mul3A_327, %add3A_328 : i32
      %mul3A_330 = arith.constant 16 : i32
      %mul3A_331 = arith.muli %select_n3A_206, %mul3A_330 : i32
      %add3A_332 = arith.addi %add3A_329, %mul3A_331 : i32
      %swap3A_333 = arith.index_cast %add3A_332 : i32 to index
      %swap3A_334 = tpu.vector_load %arg13[%swap3A_333] {strides = array<i32>} : memref<4096xf32, #tpu.memory_space<vmem>>, vector<16xf32>,
      %swap3A_335 = vector.shape_cast %swap3A_334 : vector<16xf32> to vector<16xf32>
      %swap3A_336 = vector.shape_cast %convert_element_type3A_325 : vector<16xf32> to vector<16xf32>
      tpu.vector_store %arg13[%swap3A_333], %swap3A_336 {strides = array<i32>} : memref<4096xf32, #tpu.memory_space<vmem>>, vector<16xf32>,
      %shift_right_arithmetic3A_337 = arith.constant 5 : i32
      %shift_right_arithmetic3A_338 = vector.broadcast %shift_right_arithmetic3A_337 : i32 to vector<16xi32>
      %shift_right_arithmetic3A_339 = arith.shrsi %or3A, %shift_right_arithmetic3A_338 : vector<16xi32>
      %and3A_340 = arith.constant 1 : i32
      %and3A_341 = vector.broadcast %and3A_340 : i32 to vector<16xi32>
      %and3A_342 = arith.andi %shift_right_arithmetic3A_339, %and3A_341 : vector<16xi32>
      %convert_element_type3A_343 = arith.sitofp %and3A_342 : vector<16xi32> to vector<16xf32>
      %mul3A_344 = arith.constant 1024 : i32
      %mul3A_345 = arith.muli %select_n3A, %mul3A_344 : i32
      %add3A_346 = arith.constant 768 : i32
      %add3A_347 = arith.addi %mul3A_345, %add3A_346 : i32
      %mul3A_348 = arith.constant 16 : i32
      %mul3A_349 = arith.muli %select_n3A_206, %mul3A_348 : i32
      %add3A_350 = arith.addi %add3A_347, %mul3A_349 : i32
      %swap3A_351 = arith.index_cast %add3A_350 : i32 to index
      %swap3A_352 = tpu.vector_load %arg13[%swap3A_351] {strides = array<i32>} : memref<4096xf32, #tpu.memory_space<vmem>>, vector<16xf32>,
      %swap3A_353 = vector.shape_cast %swap3A_352 : vector<16xf32> to vector<16xf32>
      %swap3A_354 = vector.shape_cast %convert_element_type3A_343 : vector<16xf32> to vector<16xf32>
      tpu.vector_store %arg13[%swap3A_351], %swap3A_354 {strides = array<i32>} : memref<4096xf32, #tpu.memory_space<vmem>>, vector<16xf32>,
      %shift_right_arithmetic3A_355 = arith.constant 4 : i32
      %shift_right_arithmetic3A_356 = vector.broadcast %shift_right_arithmetic3A_355 : i32 to vector<16xi32>
      %shift_right_arithmetic3A_357 = arith.shrsi %or3A, %shift_right_arithmetic3A_356 : vector<16xi32>
      %and3A_358 = arith.constant 1 : i32
      %and3A_359 = vector.broadcast %and3A_358 : i32 to vector<16xi32>
      %and3A_360 = arith.andi %shift_right_arithmetic3A_357, %and3A_359 : vector<16xi32>
      %convert_element_type3A_361 = arith.sitofp %and3A_360 : vector<16xi32> to vector<16xf32>
      %mul3A_362 = arith.constant 1024 : i32
      %mul3A_363 = arith.muli %select_n3A, %mul3A_362 : i32
      %add3A_364 = arith.constant 896 : i32
      %add3A_365 = arith.addi %mul3A_363, %add3A_364 : i32
      %mul3A_366 = arith.constant 16 : i32
      %mul3A_367 = arith.muli %select_n3A_206, %mul3A_366 : i32
      %add3A_368 = arith.addi %add3A_365, %mul3A_367 : i32
      %swap3A_369 = arith.index_cast %add3A_368 : i32 to index
      %swap3A_370 = tpu.vector_load %arg13[%swap3A_369] {strides = array<i32>} : memref<4096xf32, #tpu.memory_space<vmem>>, vector<16xf32>,
      %swap3A_371 = vector.shape_cast %swap3A_370 : vector<16xf32> to vector<16xf32>
      %swap3A_372 = vector.shape_cast %convert_element_type3A_361 : vector<16xf32> to vector<16xf32>
      tpu.vector_store %arg13[%swap3A_369], %swap3A_372 {strides = array<i32>} : memref<4096xf32, #tpu.memory_space<vmem>>, vector<16xf32>,
    }
    %scan3A_149 = arith.constant 8 : i32
    %dma_wait3A_150 = arith.constant 384 : i32
    %dma_wait3A_151 = tpu.memref_slice %arg10[%dma_wait3A_150] : memref<512xi32, #tpu.memory_space<vmem>> -> memref<128xi32, #tpu.memory_space<vmem>>
    %dma_wait3A_152 = arith.constant 384 : i32
    %dma_wait3A_153 = tpu.memref_slice %arg7[%dma_wait3A_152] : memref<512xi32, #tpu.memory_space<vmem>> -> memref<128xi32, #tpu.memory_space<vmem>>
    %dma_wait3A_154 = arith.constant 0 : i32
    %dma_wait3A_155 = tpu.memref_slice %arg3[%dma_wait3A_154] : memref<1999872xi32, #tpu.memory_space<hbm>> -> memref<1999872xi32, #tpu.memory_space<hbm>>
    tpu.wait_indirect_dma semaphore(%arg14 : memref<!tpu.dma_semaphore, #tpu.memory_space<semaphore_mem>>) src(%dma_wait3A_155 : memref<1999872xi32, #tpu.memory_space<hbm>>) dst(%dma_wait3A_151 : memref<128xi32, #tpu.memory_space<vmem>>)
    %dma_wait3A_156 = arith.constant 384 : i32
    %dma_wait3A_157 = tpu.memref_slice %arg11[%dma_wait3A_156] : memref<512xi32, #tpu.memory_space<vmem>> -> memref<128xi32, #tpu.memory_space<vmem>>
    %dma_wait3A_158 = arith.constant 384 : i32
    %dma_wait3A_159 = tpu.memref_slice %arg8[%dma_wait3A_158] : memref<512xi32, #tpu.memory_space<vmem>> -> memref<128xi32, #tpu.memory_space<vmem>>
    %dma_wait3A_160 = arith.constant 0 : i32
    %dma_wait3A_161 = tpu.memref_slice %arg3[%dma_wait3A_160] : memref<1999872xi32, #tpu.memory_space<hbm>> -> memref<1999872xi32, #tpu.memory_space<hbm>>
    tpu.wait_indirect_dma semaphore(%arg14 : memref<!tpu.dma_semaphore, #tpu.memory_space<semaphore_mem>>) src(%dma_wait3A_161 : memref<1999872xi32, #tpu.memory_space<hbm>>) dst(%dma_wait3A_157 : memref<128xi32, #tpu.memory_space<vmem>>)
    %dma_wait3A_162 = arith.constant 384 : i32
    %dma_wait3A_163 = tpu.memref_slice %arg12[%dma_wait3A_162] : memref<512xi32, #tpu.memory_space<vmem>> -> memref<128xi32, #tpu.memory_space<vmem>>
    %dma_wait3A_164 = arith.constant 384 : i32
    %dma_wait3A_165 = tpu.memref_slice %arg9[%dma_wait3A_164] : memref<512xi32, #tpu.memory_space<vmem>> -> memref<128xi32, #tpu.memory_space<vmem>>
    %dma_wait3A_166 = arith.constant 0 : i32
    %dma_wait3A_167 = tpu.memref_slice %arg4[%dma_wait3A_166] : memref<4096xi32, #tpu.memory_space<hbm>> -> memref<4096xi32, #tpu.memory_space<hbm>>
    tpu.wait_indirect_dma semaphore(%arg14 : memref<!tpu.dma_semaphore, #tpu.memory_space<semaphore_mem>>) src(%dma_wait3A_167 : memref<4096xi32, #tpu.memory_space<hbm>>) dst(%dma_wait3A_163 : memref<128xi32, #tpu.memory_space<vmem>>)
    %scan3A_168 = arith.constant 0 : i32
    %scan3A_169 = arith.constant 24 : i32
    %scan3A_170 = arith.constant 8 : i32
    %scan3A_171 = arith.addi %scan3A_169, %scan3A_170 : i32
    %scan3A_172 = arith.constant 1 : i32
    scf.for %scan3A_176 = %scan3A_169 to %scan3A_171 step %scan3A_172  : i32 {
      %jit3A = arith.constant 8 : i32
      %div3A = arith.divsi %scan3A_176, %jit3A : i32
      %sign3A = arith.constant 0 : i32
      %sign3A_177 = arith.cmpi sgt, %scan3A_176, %sign3A : i32
      %sign3A_178 = arith.extui %sign3A_177 : i1 to i32
      %sign3A_179 = arith.constant 0 : i32
      %sign3A_180 = arith.cmpi slt, %scan3A_176, %sign3A_179 : i32
      %sign3A_181 = arith.extui %sign3A_180 : i1 to i32
      %sign3A_182 = arith.subi %sign3A_178, %sign3A_181 : i32
      %sign3A_183 = arith.constant 0 : i32
      %sign3A_184 = arith.cmpi sgt, %jit3A, %sign3A_183 : i32
      %sign3A_185 = arith.extui %sign3A_184 : i1 to i32
      %sign3A_186 = arith.constant 0 : i32
      %sign3A_187 = arith.cmpi slt, %jit3A, %sign3A_186 : i32
      %sign3A_188 = arith.extui %sign3A_187 : i1 to i32
      %sign3A_189 = arith.subi %sign3A_185, %sign3A_188 : i32
      %ne3A = arith.cmpi ne, %sign3A_182, %sign3A_189 : i32
      %rem3A = arith.remsi %scan3A_176, %jit3A : i32
      %ne3A_190 = arith.constant 0 : i32
      %ne3A_191 = arith.cmpi ne, %rem3A, %ne3A_190 : i32
      %and3A = arith.andi %ne3A, %ne3A_191 : i1
      %sub3A = arith.constant 1 : i32
      %sub3A_192 = arith.subi %div3A, %sub3A : i32
      %select_n3A = arith.select %and3A, %sub3A_192, %div3A : i32
      %jit3A_193 = arith.constant 8 : i32
      %eq3A = arith.constant 0 : i32
      %eq3A_194 = arith.cmpi eq, %jit3A_193, %eq3A : i32
      %jit3A_195 = arith.constant 1 : i32
      %select_n3A_196 = arith.select %eq3A_194, %jit3A_195, %jit3A_193 : i32
      %rem3A_197 = arith.remsi %scan3A_176, %select_n3A_196 : i32
      %ne3A_198 = arith.constant 0 : i32
      %ne3A_199 = arith.cmpi ne, %rem3A_197, %ne3A_198 : i32
      %lt3A = arith.constant 0 : i32
      %lt3A_200 = arith.cmpi slt, %rem3A_197, %lt3A : i32
      %lt3A_201 = arith.constant 0 : i32
      %lt3A_202 = arith.cmpi slt, %select_n3A_196, %lt3A_201 : i32
      %ne3A_203 = arith.xori %lt3A_200, %lt3A_202 : i1
      %and3A_204 = arith.andi %ne3A_203, %ne3A_199 : i1
      %add3A_205 = arith.addi %rem3A_197, %select_n3A_196 : i32
      %select_n3A_206 = arith.select %and3A_204, %add3A_205, %rem3A_197 : i32
      %mul3A_207 = arith.constant 16 : i32
      %mul3A_208 = arith.muli %scan3A_176, %mul3A_207 : i32
      %get3A = arith.index_cast %mul3A_208 : i32 to index
      %get3A_209 = tpu.vector_load %arg6[%get3A] {strides = array<i32>} : memref<512xi32, #tpu.memory_space<vmem>>, vector<16xi32>,
      %get3A_210 = vector.shape_cast %get3A_209 : vector<16xi32> to vector<16xi32>
      %ge3A = arith.constant 999936 : i32
      %ge3A_211 = vector.broadcast %ge3A : i32 to vector<16xi32>
      %ge3A_212 = arith.cmpi sge, %get3A_210, %ge3A_211 : vector<16xi32>
      %get3A_213 = arith.index_cast %mul3A_208 : i32 to index
      %get3A_214 = tpu.vector_load %arg12[%get3A_213] {strides = array<i32>} : memref<512xi32, #tpu.memory_space<vmem>>, vector<16xi32>,
      %get3A_215 = vector.shape_cast %get3A_214 : vector<16xi32> to vector<16xi32>
      %and3A_216 = arith.constant 15 : i32
      %and3A_217 = vector.broadcast %and3A_216 : i32 to vector<16xi32>
      %and3A_218 = arith.andi %get3A_215, %and3A_217 : vector<16xi32>
      %get3A_219 = arith.index_cast %mul3A_208 : i32 to index
      %get3A_220 = tpu.vector_load %arg10[%get3A_219] {strides = array<i32>} : memref<512xi32, #tpu.memory_space<vmem>>, vector<16xi32>,
      %get3A_221 = vector.shape_cast %get3A_220 : vector<16xi32> to vector<16xi32>
      %select_n3A_222 = arith.select %ge3A_212, %and3A_218, %get3A_221 : vector<16xi1>, vector<16xi32>
      %shift_right_arithmetic3A = arith.constant 4 : i32
      %shift_right_arithmetic3A_223 = vector.broadcast %shift_right_arithmetic3A : i32 to vector<16xi32>
      %shift_right_arithmetic3A_224 = arith.shrsi %get3A_215, %shift_right_arithmetic3A_223 : vector<16xi32>
      %get3A_225 = arith.index_cast %mul3A_208 : i32 to index
      %get3A_226 = tpu.vector_load %arg11[%get3A_225] {strides = array<i32>} : memref<512xi32, #tpu.memory_space<vmem>>, vector<16xi32>,
      %get3A_227 = vector.shape_cast %get3A_226 : vector<16xi32> to vector<16xi32>
      %select_n3A_228 = arith.select %ge3A_212, %shift_right_arithmetic3A_224, %get3A_227 : vector<16xi1>, vector<16xi32>
      %shift_left3A = arith.constant 4 : i32
      %shift_left3A_229 = vector.broadcast %shift_left3A : i32 to vector<16xi32>
      %shift_left3A_230 = arith.shli %select_n3A_228, %shift_left3A_229 : vector<16xi32>
      %or3A = arith.ori %select_n3A_222, %shift_left3A_230 : vector<16xi32>
      %shift_right_arithmetic3A_231 = arith.constant 3 : i32
      %shift_right_arithmetic3A_232 = vector.broadcast %shift_right_arithmetic3A_231 : i32 to vector<16xi32>
      %shift_right_arithmetic3A_233 = arith.shrsi %or3A, %shift_right_arithmetic3A_232 : vector<16xi32>
      %and3A_234 = arith.constant 1 : i32
      %and3A_235 = vector.broadcast %and3A_234 : i32 to vector<16xi32>
      %and3A_236 = arith.andi %shift_right_arithmetic3A_233, %and3A_235 : vector<16xi32>
      %convert_element_type3A = arith.sitofp %and3A_236 : vector<16xi32> to vector<16xf32>
      %mul3A_237 = arith.constant 1024 : i32
      %mul3A_238 = arith.muli %select_n3A, %mul3A_237 : i32
      %add3A_239 = arith.constant 0 : i32
      %add3A_240 = arith.addi %mul3A_238, %add3A_239 : i32
      %mul3A_241 = arith.constant 16 : i32
      %mul3A_242 = arith.muli %select_n3A_206, %mul3A_241 : i32
      %add3A_243 = arith.addi %add3A_240, %mul3A_242 : i32
      %swap3A = arith.index_cast %add3A_243 : i32 to index
      %swap3A_244 = tpu.vector_load %arg13[%swap3A] {strides = array<i32>} : memref<4096xf32, #tpu.memory_space<vmem>>, vector<16xf32>,
      %swap3A_245 = vector.shape_cast %swap3A_244 : vector<16xf32> to vector<16xf32>
      %swap3A_246 = vector.shape_cast %convert_element_type3A : vector<16xf32> to vector<16xf32>
      tpu.vector_store %arg13[%swap3A], %swap3A_246 {strides = array<i32>} : memref<4096xf32, #tpu.memory_space<vmem>>, vector<16xf32>,
      %shift_right_arithmetic3A_247 = arith.constant 2 : i32
      %shift_right_arithmetic3A_248 = vector.broadcast %shift_right_arithmetic3A_247 : i32 to vector<16xi32>
      %shift_right_arithmetic3A_249 = arith.shrsi %or3A, %shift_right_arithmetic3A_248 : vector<16xi32>
      %and3A_250 = arith.constant 1 : i32
      %and3A_251 = vector.broadcast %and3A_250 : i32 to vector<16xi32>
      %and3A_252 = arith.andi %shift_right_arithmetic3A_249, %and3A_251 : vector<16xi32>
      %convert_element_type3A_253 = arith.sitofp %and3A_252 : vector<16xi32> to vector<16xf32>
      %mul3A_254 = arith.constant 1024 : i32
      %mul3A_255 = arith.muli %select_n3A, %mul3A_254 : i32
      %add3A_256 = arith.constant 128 : i32
      %add3A_257 = arith.addi %mul3A_255, %add3A_256 : i32
      %mul3A_258 = arith.constant 16 : i32
      %mul3A_259 = arith.muli %select_n3A_206, %mul3A_258 : i32
      %add3A_260 = arith.addi %add3A_257, %mul3A_259 : i32
      %swap3A_261 = arith.index_cast %add3A_260 : i32 to index
      %swap3A_262 = tpu.vector_load %arg13[%swap3A_261] {strides = array<i32>} : memref<4096xf32, #tpu.memory_space<vmem>>, vector<16xf32>,
      %swap3A_263 = vector.shape_cast %swap3A_262 : vector<16xf32> to vector<16xf32>
      %swap3A_264 = vector.shape_cast %convert_element_type3A_253 : vector<16xf32> to vector<16xf32>
      tpu.vector_store %arg13[%swap3A_261], %swap3A_264 {strides = array<i32>} : memref<4096xf32, #tpu.memory_space<vmem>>, vector<16xf32>,
      %shift_right_arithmetic3A_265 = arith.constant 1 : i32
      %shift_right_arithmetic3A_266 = vector.broadcast %shift_right_arithmetic3A_265 : i32 to vector<16xi32>
      %shift_right_arithmetic3A_267 = arith.shrsi %or3A, %shift_right_arithmetic3A_266 : vector<16xi32>
      %and3A_268 = arith.constant 1 : i32
      %and3A_269 = vector.broadcast %and3A_268 : i32 to vector<16xi32>
      %and3A_270 = arith.andi %shift_right_arithmetic3A_267, %and3A_269 : vector<16xi32>
      %convert_element_type3A_271 = arith.sitofp %and3A_270 : vector<16xi32> to vector<16xf32>
      %mul3A_272 = arith.constant 1024 : i32
      %mul3A_273 = arith.muli %select_n3A, %mul3A_272 : i32
      %add3A_274 = arith.constant 256 : i32
      %add3A_275 = arith.addi %mul3A_273, %add3A_274 : i32
      %mul3A_276 = arith.constant 16 : i32
      %mul3A_277 = arith.muli %select_n3A_206, %mul3A_276 : i32
      %add3A_278 = arith.addi %add3A_275, %mul3A_277 : i32
      %swap3A_279 = arith.index_cast %add3A_278 : i32 to index
      %swap3A_280 = tpu.vector_load %arg13[%swap3A_279] {strides = array<i32>} : memref<4096xf32, #tpu.memory_space<vmem>>, vector<16xf32>,
      %swap3A_281 = vector.shape_cast %swap3A_280 : vector<16xf32> to vector<16xf32>
      %swap3A_282 = vector.shape_cast %convert_element_type3A_271 : vector<16xf32> to vector<16xf32>
      tpu.vector_store %arg13[%swap3A_279], %swap3A_282 {strides = array<i32>} : memref<4096xf32, #tpu.memory_space<vmem>>, vector<16xf32>,
      %shift_right_arithmetic3A_283 = arith.constant 0 : i32
      %shift_right_arithmetic3A_284 = vector.broadcast %shift_right_arithmetic3A_283 : i32 to vector<16xi32>
      %shift_right_arithmetic3A_285 = arith.shrsi %or3A, %shift_right_arithmetic3A_284 : vector<16xi32>
      %and3A_286 = arith.constant 1 : i32
      %and3A_287 = vector.broadcast %and3A_286 : i32 to vector<16xi32>
      %and3A_288 = arith.andi %shift_right_arithmetic3A_285, %and3A_287 : vector<16xi32>
      %convert_element_type3A_289 = arith.sitofp %and3A_288 : vector<16xi32> to vector<16xf32>
      %mul3A_290 = arith.constant 1024 : i32
      %mul3A_291 = arith.muli %select_n3A, %mul3A_290 : i32
      %add3A_292 = arith.constant 384 : i32
      %add3A_293 = arith.addi %mul3A_291, %add3A_292 : i32
      %mul3A_294 = arith.constant 16 : i32
      %mul3A_295 = arith.muli %select_n3A_206, %mul3A_294 : i32
      %add3A_296 = arith.addi %add3A_293, %mul3A_295 : i32
      %swap3A_297 = arith.index_cast %add3A_296 : i32 to index
      %swap3A_298 = tpu.vector_load %arg13[%swap3A_297] {strides = array<i32>} : memref<4096xf32, #tpu.memory_space<vmem>>, vector<16xf32>,
      %swap3A_299 = vector.shape_cast %swap3A_298 : vector<16xf32> to vector<16xf32>
      %swap3A_300 = vector.shape_cast %convert_element_type3A_289 : vector<16xf32> to vector<16xf32>
      tpu.vector_store %arg13[%swap3A_297], %swap3A_300 {strides = array<i32>} : memref<4096xf32, #tpu.memory_space<vmem>>, vector<16xf32>,
      %shift_right_arithmetic3A_301 = arith.constant 7 : i32
      %shift_right_arithmetic3A_302 = vector.broadcast %shift_right_arithmetic3A_301 : i32 to vector<16xi32>
      %shift_right_arithmetic3A_303 = arith.shrsi %or3A, %shift_right_arithmetic3A_302 : vector<16xi32>
      %and3A_304 = arith.constant 1 : i32
      %and3A_305 = vector.broadcast %and3A_304 : i32 to vector<16xi32>
      %and3A_306 = arith.andi %shift_right_arithmetic3A_303, %and3A_305 : vector<16xi32>
      %convert_element_type3A_307 = arith.sitofp %and3A_306 : vector<16xi32> to vector<16xf32>
      %mul3A_308 = arith.constant 1024 : i32
      %mul3A_309 = arith.muli %select_n3A, %mul3A_308 : i32
      %add3A_310 = arith.constant 512 : i32
      %add3A_311 = arith.addi %mul3A_309, %add3A_310 : i32
      %mul3A_312 = arith.constant 16 : i32
      %mul3A_313 = arith.muli %select_n3A_206, %mul3A_312 : i32
      %add3A_314 = arith.addi %add3A_311, %mul3A_313 : i32
      %swap3A_315 = arith.index_cast %add3A_314 : i32 to index
      %swap3A_316 = tpu.vector_load %arg13[%swap3A_315] {strides = array<i32>} : memref<4096xf32, #tpu.memory_space<vmem>>, vector<16xf32>,
      %swap3A_317 = vector.shape_cast %swap3A_316 : vector<16xf32> to vector<16xf32>
      %swap3A_318 = vector.shape_cast %convert_element_type3A_307 : vector<16xf32> to vector<16xf32>
      tpu.vector_store %arg13[%swap3A_315], %swap3A_318 {strides = array<i32>} : memref<4096xf32, #tpu.memory_space<vmem>>, vector<16xf32>,
      %shift_right_arithmetic3A_319 = arith.constant 6 : i32
      %shift_right_arithmetic3A_320 = vector.broadcast %shift_right_arithmetic3A_319 : i32 to vector<16xi32>
      %shift_right_arithmetic3A_321 = arith.shrsi %or3A, %shift_right_arithmetic3A_320 : vector<16xi32>
      %and3A_322 = arith.constant 1 : i32
      %and3A_323 = vector.broadcast %and3A_322 : i32 to vector<16xi32>
      %and3A_324 = arith.andi %shift_right_arithmetic3A_321, %and3A_323 : vector<16xi32>
      %convert_element_type3A_325 = arith.sitofp %and3A_324 : vector<16xi32> to vector<16xf32>
      %mul3A_326 = arith.constant 1024 : i32
      %mul3A_327 = arith.muli %select_n3A, %mul3A_326 : i32
      %add3A_328 = arith.constant 640 : i32
      %add3A_329 = arith.addi %mul3A_327, %add3A_328 : i32
      %mul3A_330 = arith.constant 16 : i32
      %mul3A_331 = arith.muli %select_n3A_206, %mul3A_330 : i32
      %add3A_332 = arith.addi %add3A_329, %mul3A_331 : i32
      %swap3A_333 = arith.index_cast %add3A_332 : i32 to index
      %swap3A_334 = tpu.vector_load %arg13[%swap3A_333] {strides = array<i32>} : memref<4096xf32, #tpu.memory_space<vmem>>, vector<16xf32>,
      %swap3A_335 = vector.shape_cast %swap3A_334 : vector<16xf32> to vector<16xf32>
      %swap3A_336 = vector.shape_cast %convert_element_type3A_325 : vector<16xf32> to vector<16xf32>
      tpu.vector_store %arg13[%swap3A_333], %swap3A_336 {strides = array<i32>} : memref<4096xf32, #tpu.memory_space<vmem>>, vector<16xf32>,
      %shift_right_arithmetic3A_337 = arith.constant 5 : i32
      %shift_right_arithmetic3A_338 = vector.broadcast %shift_right_arithmetic3A_337 : i32 to vector<16xi32>
      %shift_right_arithmetic3A_339 = arith.shrsi %or3A, %shift_right_arithmetic3A_338 : vector<16xi32>
      %and3A_340 = arith.constant 1 : i32
      %and3A_341 = vector.broadcast %and3A_340 : i32 to vector<16xi32>
      %and3A_342 = arith.andi %shift_right_arithmetic3A_339, %and3A_341 : vector<16xi32>
      %convert_element_type3A_343 = arith.sitofp %and3A_342 : vector<16xi32> to vector<16xf32>
      %mul3A_344 = arith.constant 1024 : i32
      %mul3A_345 = arith.muli %select_n3A, %mul3A_344 : i32
      %add3A_346 = arith.constant 768 : i32
      %add3A_347 = arith.addi %mul3A_345, %add3A_346 : i32
      %mul3A_348 = arith.constant 16 : i32
      %mul3A_349 = arith.muli %select_n3A_206, %mul3A_348 : i32
      %add3A_350 = arith.addi %add3A_347, %mul3A_349 : i32
      %swap3A_351 = arith.index_cast %add3A_350 : i32 to index
      %swap3A_352 = tpu.vector_load %arg13[%swap3A_351] {strides = array<i32>} : memref<4096xf32, #tpu.memory_space<vmem>>, vector<16xf32>,
      %swap3A_353 = vector.shape_cast %swap3A_352 : vector<16xf32> to vector<16xf32>
      %swap3A_354 = vector.shape_cast %convert_element_type3A_343 : vector<16xf32> to vector<16xf32>
      tpu.vector_store %arg13[%swap3A_351], %swap3A_354 {strides = array<i32>} : memref<4096xf32, #tpu.memory_space<vmem>>, vector<16xf32>,
      %shift_right_arithmetic3A_355 = arith.constant 4 : i32
      %shift_right_arithmetic3A_356 = vector.broadcast %shift_right_arithmetic3A_355 : i32 to vector<16xi32>
      %shift_right_arithmetic3A_357 = arith.shrsi %or3A, %shift_right_arithmetic3A_356 : vector<16xi32>
      %and3A_358 = arith.constant 1 : i32
      %and3A_359 = vector.broadcast %and3A_358 : i32 to vector<16xi32>
      %and3A_360 = arith.andi %shift_right_arithmetic3A_357, %and3A_359 : vector<16xi32>
      %convert_element_type3A_361 = arith.sitofp %and3A_360 : vector<16xi32> to vector<16xf32>
      %mul3A_362 = arith.constant 1024 : i32
      %mul3A_363 = arith.muli %select_n3A, %mul3A_362 : i32
      %add3A_364 = arith.constant 896 : i32
      %add3A_365 = arith.addi %mul3A_363, %add3A_364 : i32
      %mul3A_366 = arith.constant 16 : i32
      %mul3A_367 = arith.muli %select_n3A_206, %mul3A_366 : i32
      %add3A_368 = arith.addi %add3A_365, %mul3A_367 : i32
      %swap3A_369 = arith.index_cast %add3A_368 : i32 to index
      %swap3A_370 = tpu.vector_load %arg13[%swap3A_369] {strides = array<i32>} : memref<4096xf32, #tpu.memory_space<vmem>>, vector<16xf32>,
      %swap3A_371 = vector.shape_cast %swap3A_370 : vector<16xf32> to vector<16xf32>
      %swap3A_372 = vector.shape_cast %convert_element_type3A_361 : vector<16xf32> to vector<16xf32>
      tpu.vector_store %arg13[%swap3A_369], %swap3A_372 {strides = array<i32>} : memref<4096xf32, #tpu.memory_space<vmem>>, vector<16xf32>,
    }
    %scan3A_173 = arith.constant 8 : i32
    %mul3A_174 = arith.constant 8 : i32
    %mul3A_175 = arith.muli %mul3A_2, %mul3A_174 : i32
    "tpu.region"() ({
      %run_scoped3A = tpu.sem_alloc : memref<!tpu.dma_semaphore, #tpu.memory_space<semaphore_mem>>
      %dma_start3A_176 = tpu.memref_slice %arg5[%mul3A_175] : memref<131072xf32, #tpu.memory_space<hbm>> -> memref<4096xf32, #tpu.memory_space<hbm>>
      %dma_start3A_177 = tpu.memref_slice %arg5[%mul3A_175] : memref<131072xf32, #tpu.memory_space<hbm>> -> memref<4096xf32, #tpu.memory_space<hbm>>
      tpu.enqueue_dma source(%arg13 : memref<4096xf32, #tpu.memory_space<vmem>>) target(%dma_start3A_177 : memref<4096xf32, #tpu.memory_space<hbm>>) target_semaphore(%run_scoped3A : memref<!tpu.dma_semaphore, #tpu.memory_space<semaphore_mem>>)
      %dma_wait3A_178 = tpu.memref_slice %arg5[%mul3A_175] : memref<131072xf32, #tpu.memory_space<hbm>> -> memref<4096xf32, #tpu.memory_space<hbm>>
      %dma_wait3A_179 = tpu.memref_slice %arg5[%mul3A_175] : memref<131072xf32, #tpu.memory_space<hbm>> -> memref<4096xf32, #tpu.memory_space<hbm>>
      tpu.wait_dma2 semaphore(%run_scoped3A : memref<!tpu.dma_semaphore, #tpu.memory_space<semaphore_mem>>) src(%arg13 : memref<4096xf32, #tpu.memory_space<vmem>>) dst(%dma_wait3A_179 : memref<4096xf32, #tpu.memory_space<hbm>>)
      tpu.yield
    }) : () -> ()
    return
  }
}

</mosaic_0001>

<sc_bundles>
// kernel: kernel.3.cloned.1.call-start
scs
__scs_entry_jumppad:
0x0: {  	(pc) =	sbr.rel $0x88, $3  }
0x1: {  	(tag) =	ssettag $0x0;
	lr =	simm.s32 $0x1  }
0x2: {  	[smem:$0x3F9F] =	sst lr;
	_ =	strace $0xD0000000  }
0x3: {  	_ = 	snop  }
0x4: {  	_ = 	snop  }
0x5: {  	_ = 	snop  }
0x6: {  	_ = 	snop  }
0x7: {  	_ = 	snop  }
__scs_overlays_trampoline_lowered:
0x8: {  	[smem:$0x3FAE] =	sst s0  }
0x9: {  	[smem:$0x3FAF] =	sst s1  }
0xa: {  	[smem:$0x3FB0] =	sst s2  }
0xb: {  	[smem:$0x3FB1] =	sst s3  }
0xc: {  	[smem:$0x3FB2] =	sst s4  }
0xd: {  	[smem:$0x3FB3] =	sst s5  }
0xe: {  	[smem:$0x3FB4] =	sst s6  }
0xf: {  	[smem:$0x3FB5] =	sst s7  }
0x10: {  	[smem:$0x3FB6] =	sst s8  }
0x11: {  	[smem:$0x3FB7] =	sst s9;
	s0 =	simm.s32 @!p0 $0x0  }
0x12: {  	s1 =	sld [smem:$0x3F9D];
	s0 =	simm.s32 @p0 $0x1  }
0x13: {  	[smem:$0x3FB8] =	sst s0;
	s0 =	simm.s32 @!p1 $0x0  }
0x14: {  	s2 =	sld [smem:$0x3F9C];
	s0 =	simm.s32 @p1 $0x1  }
0x15: {  	[smem:$0x3FB9] =	sst s0;
	s0 =	simm.s32 @!p2 $0x0  }
0x16: {  	s3 =	sld [smem:$0x3FDB];
	s0 =	simm.s32 @p2 $0x1  }
0x17: {  	s4 =	simm.s32 $0x1BF5;
	[smem:$0x3FBB] =	sst s0  }
0x18: {  	s0 =	sld [smem:$0x3F9E];
	_ =	swait.ge [sflag:s4], $0x0  }
0x19: {  	s7 =	sld [smem:$0x3F9F]  }
0x1a: {  	s8 =	sadd.s32 $0xFFFFE003, lr  }
0x1b: {  	s9 =	sadd.s32 $0xFFFFFEF7, lr;
	s5 =	simm.s32 $0xFFFFFFFF;
	p2 =	slt.u32 s8, $0xFFFFF086  }
0x1c: {  	p1 =	slt.u32 s9, $0xF7A;
	s5 =	simm.s32 @!p2 $0x0  }
0x1d: {  	s5 =	simm.s32 @p1 $0x1;
	p0 =	seq.s32 s7, s2  }
0x1e: {  	s7 =	smul.u32 @!p0 $0xF7A, s2;
	p2 =	seq.s32 @!p0 s5, $0x0  }
0x1f: {  	s9 =	smul.u32 $0xF7A, s1;
	s8 =	simm.s32 @!p0 $0x1BF5;
	p2 =	por !p2, p0  }
0x20: {  	[sflag:s8] =	ssyncset.s32 @!p0 $0xFFFFF086;
	s6 =	sadd.s32 @!p0 s3, s7;
	s7 =	simm.s32 @!p0 $0x108  }
0x21: {  	s3 =	sadd.s32 s3, s9;
	s6 =	sadd.s32 @!p0 $0x88, s6;
	s7 =	simm.s32 @p2 $0x1082  }
0x22: {  	[simem:s7], [sflag:s8] =	dma.local @!p0 [hbm:s6], $0xF7A  }
0x23: {  	s9 =	sor.u32 $0xD0000000, s2;
	s6 =	simm.s32 $0x108;
	_ =	swait.ge @!p0 [sflag:s8], $0x0  }
0x24: {  	s3 =	sadd.s32 $0x88, s3;
	s6 =	simm.s32 @!p1 $0x1082;
	[sflag:s4] =	ssyncset.s32 $0xFFFFF086  }
0x25: {  	[simem:s6], [sflag:s4] =	dma.local [hbm:s3], $0xF7A  }
0x26: {  	[smem:$0x3F9F] =	sst s1;
	(tag) =	ssettag s2;
	_ =	strace s9  }
0x27: {  	s1 =	sld [smem:$0x3FAF]  }
0x28: {  	s2 =	sld [smem:$0x3FB0]  }
0x29: {  	s4 =	sld [smem:$0x3FB2]  }
0x2a: {  	p0 =	seq.s32 s5, $0x0;
	s5 =	sld [smem:$0x3FB3]  }
0x2b: {  	s6 =	sld [smem:$0x3FB4]  }
0x2c: {  	s7 =	sld [smem:$0x3FB5]  }
0x2d: {  	s3 =	simm.s32 $0x108;
	s8 =	sld [smem:$0x3FB6]  }
0x2e: {  	s3 =	simm.s32 @!p0 $0x1082;
	s9 =	sld [smem:$0x3FB7]  }
0x2f: {  	lr =	sadd.s32 s0, s3;
	s0 =	sld [smem:$0x3FAE]  }
0x30: {  	s3 =	sld [smem:$0x3FB1]  }
0x31: {  	[smem:$0x3FBA] =	sst s10  }
0x32: {  	s10 =	sld [smem:$0x3FB8];
	_ =	sdelay $0x3  }
0x33: {  	p0 =	seq.s32 s10, $0x1;
	s10 =	sld [smem:$0x3FBA];
	_ =	sdelay $0x3  }
0x34: {  	[smem:$0x3FBA] =	sst s10  }
0x35: {  	s10 =	sld [smem:$0x3FB9];
	_ =	sdelay $0x3  }
0x36: {  	p1 =	seq.s32 s10, $0x1;
	s10 =	sld [smem:$0x3FBA];
	_ =	sdelay $0x3  }
0x37: {  	[smem:$0x3FBA] =	sst s10  }
0x38: {  	s10 =	sld [smem:$0x3FBB]  }
0x39: {  	_ = 	snop;
	(pc) =	sbr.ind lr, $3  }
0x3a: {  	_ = 	snop  }
0x3b: {  	_ = 	snop  }
0x3c: {  	p2 =	seq.s32 s10, $0x1;
	s10 =	sld [smem:$0x3FBA]  }
0x3d: {  	_ =	shalt  }
0x3e: {  	_ =	shalt  }
0x3f: {  	_ =	shalt  }
0x40: {  	_ =	shalt  }
0x41: {  	_ =	shalt  }
0x42: {  	_ =	shalt  }
0x43: {  	_ =	shalt  }
0x44: {  	_ =	shalt  }
0x45: {  	_ =	shalt  }
0x46: {  	_ =	shalt  }
0x47: {  	_ =	shalt  }
0x48: {  	_ =	shalt  }
0x49: {  	_ =	shalt  }
0x4a: {  	_ =	shalt  }
0x4b: {  	_ =	shalt  }
0x4c: {  	_ =	shalt  }
0x4d: {  	_ =	shalt  }
0x4e: {  	_ =	shalt  }
0x4f: {  	_ =	shalt  }
0x50: {  	_ =	shalt  }
0x51: {  	_ =	shalt  }
0x52: {  	_ =	shalt  }
0x53: {  	_ =	shalt  }
0x54: {  	_ =	shalt  }
0x55: {  	_ =	shalt  }
0x56: {  	_ =	shalt  }
0x57: {  	_ =	shalt  }
0x58: {  	_ =	shalt  }
0x59: {  	_ =	shalt  }
0x5a: {  	_ =	shalt  }
0x5b: {  	_ =	shalt  }
0x5c: {  	_ =	shalt  }
0x5d: {  	_ =	shalt  }
0x5e: {  	_ =	shalt  }
0x5f: {  	_ =	shalt  }
0x60: {  	_ =	shalt  }
0x61: {  	_ =	shalt  }
0x62: {  	_ =	shalt  }
0x63: {  	_ =	shalt  }
0x64: {  	_ =	shalt  }
0x65: {  	_ =	shalt  }
0x66: {  	_ =	shalt  }
0x67: {  	_ =	shalt  }
0x68: {  	_ =	shalt  }
0x69: {  	_ =	shalt  }
0x6a: {  	_ =	shalt  }
0x6b: {  	_ =	shalt  }
0x6c: {  	_ =	shalt  }
0x6d: {  	_ =	shalt  }
0x6e: {  	_ =	shalt  }
0x6f: {  	_ =	shalt  }
0x70: {  	_ =	shalt  }
0x71: {  	_ =	shalt  }
0x72: {  	_ =	shalt  }
0x73: {  	_ =	shalt  }
0x74: {  	_ =	shalt  }
0x75: {  	_ =	shalt  }
0x76: {  	_ =	shalt  }
0x77: {  	_ =	shalt  }
0x78: {  	_ =	shalt  }
0x79: {  	_ =	shalt  }
0x7a: {  	_ =	shalt  }
0x7b: {  	_ =	shalt  }
0x7c: {  	_ =	shalt  }
0x7d: {  	_ =	shalt  }
0x7e: {  	_ =	shalt  }
0x7f: {  	_ =	shalt  }
0x80: {  	_ =	shalt  }
0x81: {  	_ =	shalt  }
0x82: {  	_ =	shalt  }
0x83: {  	_ =	shalt  }
0x84: {  	_ =	shalt  }
0x85: {  	_ =	shalt  }
0x86: {  	_ =	shalt  }
0x87: {  	_ =	shalt  }
.Lfunc_end0:
.L_simem_size_0:
called_computation_lowered:
.L_overlay_start_0:
0x88: {  	s2 =	sld [smem:$0x3FD9]  }
0x89: {  	s3 =	sld [smem:$0x3FFE];
	_ =	sdelay $0x1  }
0x8a: {  	s1 =	srdreg.scid  }
0x8b: {  	s0 =	sand.u32 $0x1, s1  }
0x8c: {  	s17 =	sshll.u32 s0, $0xA;
	s2 =	sadd.s32 s3, s2  }
0x8d: {  	s2 =	sadd.s32 s2, s17  }
0x8e: {  	[smem:$0x3FC6] =	sst s2  }
0x8f: {  	_ = 	snop  }
0x90: {  	s2 =	sld [smem:$0x3FC9]  }
0x91: {  	s18 =	sld [smem:$0x3FD0];
	(tm) =	ssettm $0x1  }
0x92: {  	s4 =	sld [smem:$0x3FFB];
	_ =	sdelay $0x3  }
0x93: {  	_ =	strace s4  }
0x94: {  	s4 =	sld [smem:$0x3FFC];
	_ =	sdelay $0x3  }
0x95: {  	_ =	strace s4  }
0x96: {  	s4 =	sld [smem:$0x3FFD];
	_ =	sdelay $0x3  }
0x97: {  	_ =	strace s4  }
0x98: {  	_ =	strace $0x8FFFFFFF  }
0x99: {  	s19 =	sld [smem:$0x3FDB];
	_ =	sdelay $0x1  }
0x9a: {  	s5 =	simm.s32 $_scs_section_size  }
0x9b: {  	s6 =	simm.s32 $_size__tile_overlayer_lowered;
	s7 =	simm.s32 $_tile_overlayer_lowered  }
0x9c: {  	s22 =	simm.s32 $0x1BFF;
	s21 =	sshll.u32 s7, $0x1;
	s4 =	sadd.s32 s5, s19  }
0x9d: {  	s8 =	simm.s32 $0x0;
	s20 =	sshll.u32 s6, $0x1;
	s6 =	sadd.s32 s21, s4  }
0x9e: {  	[timem:s8], [sflag:s22] =	dma.local [hbm:s6], s20  }
0x9f: {  	_ =	swait.ge [sflag:s22], s20  }
0xa0: {  	s5 =	ssub.s32 $0x0, s20;
	[sflag:s22] =	ssyncset.done $0x0  }
0xa1: {  	[sflag:s22] =	ssyncadd.s32 s5;
	_ =	sdelay $0x1  }
0xa2: {  	s23 =	simm.s32 $0x1B8B  }
0xa3: {  	_ =	swait.ge [sflag:s23], $0x1  }
0xa4: {  	[sflag:s23] =	ssyncset.done $0x0  }
0xa5: {  	s25 =	simm.s32 $0x1B8E;
	s24 =	sld [smem:$0x3FFE];
	[sflag:s23] =	ssyncadd.s32 $0xFFFFFFFF  }
0xa6: {  	s26 =	simm.s32 $execute0_lowered;
	[smem:$0x3FD2] =	sst s25  }
0xa7: {  	s6 =	sshll.u32 s26, $0x1;
	_ =	strace $0x80000046;
	[dreg:$0x1] =	wrdreg $0xFFFFFFFF  }
0xa8: {  	s28 =	simm.s32 $_size_execute0_lowered;
	s4 =	sadd.s32 s4, s6;
	[dreg:$0x0] =	wrdreg $0x0  }
0xa9: {  	s6 =	sshll.u32 s28, $0x1;
	[dreg:$0x2] =	wrdreg s4  }
0xaa: {  	[dreg:$0x3] =	wrdreg s6  }
0xab: {  	[dreg:$0x4] =	wrdreg $0xC0  }
0xac: {  	_ =	task [dreg:s8], $0x5FFFF  }
0xad: {  	[dreg:$0x1] =	wrdreg $0xFFFFFFFF  }
0xae: {  	[dreg:$0x0] =	wrdreg $0x60  }
0xaf: {  	[dreg:$0x2] =	wrdreg s2  }
0xb0: {  	[dreg:$0x3] =	wrdreg s24  }
0xb1: {  	[dreg:$0x4] =	wrdreg s18  }
0xb2: {  	[dreg:$0x5] =	wrdreg $0x9  }
0xb3: {  	_ =	task.clear_ibuf [dreg:s8], $0x6FFFF;
	_ =	strace $0x90000046  }
0xb4: {  	s29 =	simm.s32 $0x9;
	_ =	strace $0x80000048  }
0xb5: {  	_ =	swait.ge [sflag:s29], $0x1  }
0xb6: {  	[sflag:s29] =	ssyncadd.s32 $0xFFFFFFFF  }
0xb7: {  	_ =	strace $0x90000048  }
0xb8: {  	_ =	sfence  }
0xb9: {  	s30 =	sld [smem:$0x0];
	_ =	sdelay $0x2  }
0xba: {  	s31 =	sshll.u32 s1, $0xD;
	s1 =	sshrl.u32 s1, $0x2  }
0xbb: {  	s3 =	sand.u32 $0x4000, s31;
	s1 =	sadd.s32 s1, s30  }
0xbc: {  	s0 =	sor.u32 s3, s0;
	s1 =	sshll.u32 s1, $0x11  }
0xbd: {  	s0 =	sor.u32 s1, s0  }
0xbe: {  	s0 =	sadd.s32 $0x8F2B, s0  }
0xbf: {  	[sflag:s0] =	ssyncadd.remote.s32 $0x1  }
0xc0: {  	_ =	sfence.sel $0xFFFF  }
0xc1: {  	[dreg:$0x0] =	wrdreg $0xFFFFFFFF;
	(pc) =	sbr.abs _section_cstart, $3  }
0xc2: {  	[dreg:$0x1] =	wrdreg $0xFFFFFFFF  }
0xc3: {  	_ =	task.clear_ibuf [dreg:s8], $0x2FFFF;
	_ =	strace $0x9FFFFFFF  }
0xc4: {  	(tm) =	ssettm $0x7FFFFFFF  }
0xc5: {  	_ =	shalt  }
tec
execute0_lowered:
.L_overlay_start_1:
0x0: {  	(tag) =	ssettag $0x1  }
0x1: {  	s0 =	rddreg [dreg:$0x0]  }
0x2: {  	s1 =	rddreg [dreg:$0x1]  }
0x3: {  	s6 =	rddreg [dreg:$0x2];
	s2 =	simm.s32 $0x0;
	s4 =	srdreg.scid  }
0x4: {  	s7 =	stileid.u32;
	s19 =	simm.s32 $0xA80;
	s20 =	simm.s32 $0x680  }
0x5: {  	s21 =	simm.s32 $0xC80;
	s22 =	simm.s32 $0x300;
	s23 =	simm.s32 $0x900  }
0x6: {  	s24 =	simm.s32 $0x500;
	s28 =	simm.s32 $0xD00;
	s29 =	simm.s32 $0x380  }
0x7: {  	s30 =	simm.s32 $0x980;
	s31 =	simm.s32 $0x580;
	s10 =	simm.s32 $0xD80  }
0x8: {  	s11 =	simm.s32 $0x1;
	s12 =	simm.s32 $0xE00;
	s13 =	simm.s32 $0x0  }
0x9: {  	[smem:$0x7FF] =	sst s2;
	s3 =	sadd.s32 $0x400, s1;
	s5 =	sand.u32 $0x1, s4  }
0xa: {  	s7 =	sshll.u32 s7, $0x1;
	s4 =	sadd.s32 $0x3D600, s1;
	s25 =	ssub.s32 $0x2, s5  }
0xb: {  	_ =	strace $0x80000047;
	s5 =	sor.u32 s5, s7;
	s26 =	sshrl.u32 s25, $0x1  }
0xc: {  	s8 =	sshll.u32 s5, $0x6;
	s9 =	sshll.u32 s5, $0x9;
	s1 =	ssub.s32 s25, s26  }
0xd: {  	s5 =	sadd.s32 s0, s8;
	s6 =	sadd.s32 s6, s9;
	s8 =	simm.s32 $0x2  }
0xe: {  	s9 =	simm.s32 $0x80;
	s25 =	simm.s32 $0xB00;
	s26 =	simm.s32 $0x700  }
0xf: {  	s0 =	simm.s32 $0xB80;
	s7 =	smax.u32 s1, $0x1;
	s1 =	simm.s32 $0x780  }
.LBB2_1:
0x10: {  	[tilespmem:s2], [sflag:$0x2] =	stream.linear.gather [hbm4b:s5+s2], $0x200, $0x38;
	[tilespmem:$0x1E00] =	vst v63  }
0x11: {  	_ =	swait.ge [sflag:s8], $0x200  }
0x12: {  	[sflag:s8] =	ssyncset.done $0x0  }
0x13: {  	s16 =	simm.s32 $0x10;
	[sflag:s8] =	ssyncadd.s32 $0xFFFFFE00  }
0x14: {  	v0 =	vld [tilespmem:s16+$0xFFFFFFF0];
	_ =	sdelay $0x4  }
0x15: {  	v1 =	vand.u32 $0xFFFFFF80, v0  }
0x16: {  	vm0 =	vgt.s32 v0, $0xF41FF;
	v1 =	vadd.s32 v0, v1  }
0x17: {  	s17 =	simm.s32 $0x210;
	v1 =	vsel vm0, $0x0, v1  }
0x18: {  	s14 =	simm.s32 $0x410;
	v2 =	vadd.s32 $0xFFF0BE00, v0;
	v0 =	vand.u32 $0xFFF, v0;
	[tilespmem:s17+$0xFFFFFFF0] =	vst v1;
	v1 =	vadd.s32 $0x80, v1  }
0x19: {  	s15 =	simm.s32 $0x610;
	v0 =	vsel vm0, v2, v0;
	[tilespmem:s14+$0xFFFFFFF0] =	vst v1  }
0x1a: {  	[tilespmem:s15+$0xFFFFFFF0] =	vst v0  }
0x1b: {  	v0 =	vld [tilespmem:s16+$0x0];
	_ =	sdelay $0x4  }
0x1c: {  	v1 =	vand.u32 $0xFFFFFF80, v0  }
0x1d: {  	vm15 =	vgt.s32 v0, $0xF41FF;
	v1 =	vadd.s32 v0, v1  }
0x1e: {  	v1 =	vsel vm15, $0x0, v1  }
0x1f: {  	v2 =	vadd.s32 $0xFFF0BE00, v0;
	v0 =	vand.u32 $0xFFF, v0;
	[tilespmem:s17+$0x0] =	vst v1;
	v1 =	vadd.s32 $0x80, v1  }
0x20: {  	s18 =	simm.s32 $0x30;
	s16 =	simm.s32 $0x0;
	v0 =	vsel vm15, v2, v0;
	s17 =	simm.s32 $0x230;
	[tilespmem:s14+$0x0] =	vst v1  }
.LBB2_2:
0x21: {  	s16 =	sadd.s32 $0x2, s16;
	[tilespmem:s15+$0x0] =	vst v0;
	s15 =	sadd.s32 $0x20, s15;
	s14 =	sadd.s32 $0x20, s14  }
0x22: {  	v0 =	vld [tilespmem:s18+$0xFFFFFFF0];
	p0 =	slt.u32 s16, $0x1E;
	_ =	sdelay $0x4  }
0x23: {  	v1 =	vand.u32 $0xFFFFFF80, v0;
	v2 =	vadd.s32 $0xFFF0BE00, v0;
	v3 =	vand.u32 $0xFFF, v0  }
0x24: {  	vm0 =	vgt.s32 v0, $0xF41FF;
	v0 =	vadd.s32 v0, v1  }
0x25: {  	v1 =	vsel vm0, v2, v3;
	v0 =	vsel vm0, $0x0, v0  }
0x26: {  	[tilespmem:s17+$0xFFFFFFF0] =	vst v0;
	v0 =	vadd.s32 $0x80, v0  }
0x27: {  	[tilespmem:s14+$0xFFFFFFF0] =	vst v0  }
0x28: {  	[tilespmem:s15+$0xFFFFFFF0] =	vst v1  }
0x29: {  	v0 =	vld [tilespmem:s18+$0x0];
	_ =	sdelay $0x4  }
.Ltmp0:
0x2a: {  	v1 =	vand.u32 $0xFFFFFF80, v0;
	v2 =	vadd.s32 $0xFFF0BE00, v0;
	v3 =	vand.u32 $0xFFF, v0;
	(pc) =	sbr.rel @p0 .LBB2_2-.Ltmp0, $4  }
0x2b: {  	vm0 =	vgt.s32 v0, $0xF41FF;
	v0 =	vadd.s32 v0, v1  }
0x2c: {  	v1 =	vsel vm0, $0x0, v0;
	v0 =	vsel vm0, v2, v3  }
0x2d: {  	[tilespmem:s17+$0x0] =	vst v1;
	v1 =	vadd.s32 $0x80, v1  }
0x2e: {  	s18 =	sadd.s32 $0x20, s18;
	s17 =	sadd.s32 $0x20, s17;
	[tilespmem:s14+$0x0] =	vst v1  }
0x2f: {  	[tilespmem:s15+$0x0] =	vst v0;
	s14 =	simm.s32 $0x200;
	s18 =	simm.s32 $0x800  }
0x30: {  	[tilespmem:s18], [sflag:$0x1] =	stream.indirect.gather [hbm4b:s3+s9], $0x1, s14, s9, $0xb8;
	[tilespmem:$0x1E00] =	vst v63  }
0x31: {  	s15 =	simm.s32 $0x400;
	s16 =	simm.s32 $0xA00  }
0x32: {  	[tilespmem:s16], [sflag:$0x1] =	stream.indirect.gather [hbm4b:s3+s9], $0x1, s15, s9, $0xb8;
	[tilespmem:$0x1E00] =	vst v63  }
0x33: {  	s17 =	simm.s32 $0x600;
	s18 =	simm.s32 $0xC00  }
0x34: {  	[tilespmem:s18], [sflag:$0x1] =	stream.indirect.gather [hbm4b:s4+s9], $0x1, s17, s9, $0xb8;
	[tilespmem:$0x1E00] =	vst v63  }
0x35: {  	s16 =	simm.s32 $0x280;
	s17 =	simm.s32 $0x880  }
0x36: {  	[tilespmem:s17], [sflag:$0x1] =	stream.indirect.gather [hbm4b:s3+s9], $0x1, s16, s9, $0xb8;
	[tilespmem:$0x1E00] =	vst v63  }
0x37: {  	s18 =	simm.s32 $0x480  }
0x38: {  	[tilespmem:s19], [sflag:$0x1] =	stream.indirect.gather [hbm4b:s3+s9], $0x1, s18, s9, $0xb8;
	[tilespmem:$0x1E00] =	vst v63  }
0x39: {  	_ = 	snop  }
0x3a: {  	[tilespmem:s21], [sflag:$0x1] =	stream.indirect.gather [hbm4b:s4+s9], $0x1, s20, s9, $0xb8;
	[tilespmem:$0x1E00] =	vst v63  }
0x3b: {  	_ = 	snop  }
0x3c: {  	[tilespmem:s23], [sflag:$0x1] =	stream.indirect.gather [hbm4b:s3+s9], $0x1, s22, s9, $0xb8;
	[tilespmem:$0x1E00] =	vst v63  }
0x3d: {  	_ = 	snop  }
0x3e: {  	[tilespmem:s25], [sflag:$0x1] =	stream.indirect.gather [hbm4b:s3+s9], $0x1, s24, s9, $0xb8;
	[tilespmem:$0x1E00] =	vst v63  }
0x3f: {  	_ = 	snop  }
0x40: {  	[tilespmem:s28], [sflag:$0x1] =	stream.indirect.gather [hbm4b:s4+s9], $0x1, s26, s9, $0xb8;
	[tilespmem:$0x1E00] =	vst v63  }
0x41: {  	_ = 	snop  }
0x42: {  	[tilespmem:s30], [sflag:$0x1] =	stream.indirect.gather [hbm4b:s3+s9], $0x1, s29, s9, $0xb8;
	[tilespmem:$0x1E00] =	vst v63  }
0x43: {  	_ = 	snop  }
0x44: {  	[tilespmem:s0], [sflag:$0x1] =	stream.indirect.gather [hbm4b:s3+s9], $0x1, s31, s9, $0xb8;
	[tilespmem:$0x1E00] =	vst v63  }
0x45: {  	_ = 	snop  }
0x46: {  	[tilespmem:s10], [sflag:$0x1] =	stream.indirect.gather [hbm4b:s4+s9], $0x1, s1, s9, $0xb8;
	[tilespmem:$0x1E00] =	vst v63  }
0x47: {  	_ =	swait.ge [sflag:s11], $0x80  }
0x48: {  	[sflag:s11] =	ssyncset.done $0x0  }
0x49: {  	[sflag:s11] =	ssyncadd.s32 $0xFFFFFF80  }
0x4a: {  	_ =	swait.ge [sflag:s11], $0x80  }
0x4b: {  	[sflag:s11] =	ssyncset.done $0x0  }
0x4c: {  	[sflag:s11] =	ssyncadd.s32 $0xFFFFFF80  }
0x4d: {  	_ =	swait.ge [sflag:s11], $0x80  }
0x4e: {  	[sflag:s11] =	ssyncset.done $0x0  }
0x4f: {  	s15 =	simm.s32 $0x0;
	[sflag:s11] =	ssyncadd.s32 $0xFFFFFF80  }
0x50: {  	v0 =	vld [tilespmem:s15+$0x0]  }
0x51: {  	v1 =	vld [tilespmem:s15+$0xC00]  }
0x52: {  	v2 =	vld [tilespmem:s15+$0xA00]  }
0x53: {  	v3 =	vld [tilespmem:s15+$0x800];
	_ =	sdelay $0x2  }
0x54: {  	s14 =	simm.s32 $0x10;
	vm0 =	vgt.s32 v0, $0xF41FF;
	v0 =	vshrl.u32 v1, $0x4  }
0x55: {  	v1 =	vand.u32 $0xF, v1;
	v0 =	vsel vm0, v0, v2;
	v2 =	vld [tilespmem:s14+$0x0]  }
0x56: {  	v1 =	vsel vm0, v1, v3;
	v4 =	vshll.u32 v0, $0x4;
	v0 =	vld [tilespmem:s14+$0xC00]  }
0x57: {  	v5 =	vld [tilespmem:s14+$0xA00];
	v3 =	vshrl.u32 v1, $0x3;
	v6 =	vshrl.u32 v1, $0x2;
	v7 =	vshrl.u32 v1, $0x1  }
0x58: {  	v8 =	vand.u32 $0x1, v1;
	v3 =	vand.u32 $0x1, v3;
	v6 =	vand.u32 $0x1, v6  }
0x59: {  	v7 =	vand.u32 $0x1, v7;
	v4 =	vor.u32 v1, v4;
	v3 =	vcvt.s32.f32 v3  }
0x5a: {  	v1 =	vcvt.s32.f32 v6;
	v9 =	vshrl.u32 v4, $0x7;
	v7 =	vcvt.s32.f32 v7  }
0x5b: {  	vm0 =	vgt.s32 v2, $0xF41FF;
	v2 =	vld [tilespmem:s14+$0x800];
	[tilespmem:s15+$0xE00] =	vst v3;
	v3 =	vshrl.u32 v4, $0x5;
	v6 =	vshrl.u32 v0, $0x4  }
0x5c: {  	[tilespmem:s15+$0xF00] =	vst v7;
	v7 =	vcvt.s32.f32 v8;
	v5 =	vsel vm0, v6, v5;
	v6 =	vshrl.u32 v4, $0x6  }
0x5d: {  	s16 =	simm.s32 $0x80;
	[tilespmem:s15+$0xE80] =	vst v1;
	v4 =	vshrl.u32 v4, $0x4;
	v1 =	vshll.u32 v5, $0x4;
	v5 =	vand.u32 $0x1, v9  }
.LBB2_4:
0x5e: {  	s17 =	sshra.s32 s16, $0x2;
	p0 =	sne.s32 s16, $0x1C0;
	s16 =	sadd.s32 $0x40, s16;
	v6 =	vand.u32 $0x1, v6;
	v3 =	vand.u32 $0x1, v3;
	v4 =	vand.u32 $0x1, v4  }
0x5f: {  	v9 =	vand.u32 $0xF, v0;
	v8 =	vld [tilespmem:s17+$0x0];
	[tilespmem:s15+$0xF80] =	vst v7;
	v6 =	vcvt.s32.f32 v6;
	v3 =	vcvt.s32.f32 v3  }
0x60: {  	v5 =	vcvt.s32.f32 v5;
	v4 =	vcvt.s32.f32 v4;
	v0 =	vld [tilespmem:s17+$0xC00];
	v2 =	vsel vm0, v9, v2  }
0x61: {  	v7 =	vld [tilespmem:s17+$0xA00];
	v9 =	vshrl.u32 v2, $0x3;
	v10 =	vshrl.u32 v2, $0x2;
	v11 =	vshrl.u32 v2, $0x1;
	[tilespmem:s15+$0x1080] =	vst v6  }
0x62: {  	v6 =	vand.u32 $0x1, v9;
	v9 =	vand.u32 $0x1, v10;
	v10 =	vand.u32 $0x1, v11;
	[tilespmem:s15+$0x1000] =	vst v5  }
.Ltmp1:
0x63: {  	v1 =	vor.u32 v2, v1;
	v11 =	vand.u32 $0x1, v2;
	v5 =	vcvt.s32.f32 v6;
	[tilespmem:s15+$0x1100] =	vst v3;
	(pc) =	sbr.rel @p0 .LBB2_4-.Ltmp1, $4  }
0x64: {  	v6 =	vcvt.s32.f32 v9;
	vm0 =	vgt.s32 v8, $0xF41FF;
	v8 =	vshrl.u32 v1, $0x7;
	[tilespmem:s15+$0x1180] =	vst v4;
	s15 =	smov.u32 s14;
	s14 =	smov.u32 s17  }
0x65: {  	v3 =	vshrl.u32 v1, $0x5;
	v2 =	vld [tilespmem:s14+$0x800];
	v4 =	vshrl.u32 v0, $0x4;
	[tilespmem:s15+$0xE00] =	vst v5;
	v5 =	vcvt.s32.f32 v10  }
0x66: {  	v7 =	vsel vm0, v4, v7;
	[tilespmem:s15+$0xE80] =	vst v6;
	v6 =	vshrl.u32 v1, $0x6;
	v4 =	vshrl.u32 v1, $0x4  }
0x67: {  	v1 =	vshll.u32 v7, $0x4;
	[tilespmem:s15+$0xF00] =	vst v5;
	v7 =	vcvt.s32.f32 v11;
	v5 =	vand.u32 $0x1, v8  }
0x68: {  	v6 =	vand.u32 $0x1, v6;
	v0 =	vand.u32 $0xF, v0;
	v3 =	vand.u32 $0x1, v3  }
0x69: {  	v4 =	vand.u32 $0x1, v4;
	v6 =	vcvt.s32.f32 v6;
	v3 =	vcvt.s32.f32 v3  }
0x6a: {  	[tilespmem:s15+$0xF80] =	vst v7;
	v4 =	vcvt.s32.f32 v4;
	v0 =	vsel vm0, v0, v2;
	v2 =	vcvt.s32.f32 v5  }
0x6b: {  	v53 =	vshrl.u32 v0, $0x3;
	[tilespmem:s15+$0x1080] =	vst v6;
	v54 =	vshrl.u32 v0, $0x2;
	v1 =	vor.u32 v0, v1  }
0x6c: {  	v5 =	vand.u32 $0x1, v53;
	[tilespmem:s15+$0x1000] =	vst v2;
	v2 =	vshrl.u32 v0, $0x1;
	v6 =	vand.u32 $0x1, v54  }
0x6d: {  	[tilespmem:s15+$0x1100] =	vst v3;
	v0 =	vand.u32 $0x1, v0;
	v55 =	vshrl.u32 v1, $0x6;
	v5 =	vcvt.s32.f32 v5  }
0x6e: {  	[tilespmem:s15+$0x1180] =	vst v4;
	v56 =	vshrl.u32 v1, $0x7;
	v57 =	vshrl.u32 v1, $0x5;
	v3 =	vcvt.s32.f32 v6  }
0x6f: {  	v1 =	vshrl.u32 v1, $0x4;
	v2 =	vand.u32 $0x1, v2;
	v0 =	vcvt.s32.f32 v0;
	[tilespmem:s14+$0xE00] =	vst v5  }
0x70: {  	v1 =	vand.u32 $0x1, v1;
	v2 =	vcvt.s32.f32 v2;
	[tilespmem:s14+$0xE80] =	vst v3  }
0x71: {  	v1 =	vcvt.s32.f32 v1;
	v3 =	vand.u32 $0x1, v55;
	[tilespmem:s14+$0xF80] =	vst v0  }
0x72: {  	[tilespmem:s14+$0xF00] =	vst v2;
	v2 =	vand.u32 $0x1, v56;
	v3 =	vcvt.s32.f32 v3  }
0x73: {  	v4 =	vand.u32 $0x1, v57;
	[tilespmem:s14+$0x1180] =	vst v1;
	v0 =	vcvt.s32.f32 v2  }
0x74: {  	v2 =	vcvt.s32.f32 v4;
	[tilespmem:s14+$0x1080] =	vst v3  }
0x75: {  	[tilespmem:s14+$0x1000] =	vst v0  }
0x76: {  	[tilespmem:s14+$0x1100] =	vst v2  }
0x77: {  	_ =	swait.ge [sflag:s11], $0x80  }
0x78: {  	[sflag:s11] =	ssyncset.done $0x0  }
0x79: {  	[sflag:s11] =	ssyncadd.s32 $0xFFFFFF80  }
0x7a: {  	_ =	swait.ge [sflag:s11], $0x80  }
0x7b: {  	[sflag:s11] =	ssyncset.done $0x0  }
0x7c: {  	[sflag:s11] =	ssyncadd.s32 $0xFFFFFF80  }
0x7d: {  	_ =	swait.ge [sflag:s11], $0x80  }
0x7e: {  	[sflag:s11] =	ssyncset.done $0x0  }
0x7f: {  	s17 =	simm.s32 $0x0;
	[sflag:s11] =	ssyncadd.s32 $0xFFFFFF80  }
0x80: {  	v0 =	vld [tilespmem:s17+$0x80]  }
0x81: {  	v1 =	vld [tilespmem:s17+$0xC80]  }
0x82: {  	v2 =	vld [tilespmem:s17+$0xA80]  }
0x83: {  	v3 =	vld [tilespmem:s17+$0x880];
	_ =	sdelay $0x2  }
0x84: {  	vm15 =	vgt.s32 v0, $0xF41FF;
	v0 =	vshrl.u32 v1, $0x4  }
0x85: {  	v1 =	vand.u32 $0xF, v1;
	v0 =	vsel vm15, v0, v2  }
0x86: {  	v1 =	vsel vm15, v1, v3;
	v0 =	vshll.u32 v0, $0x4  }
0x87: {  	v2 =	vshrl.u32 v1, $0x2;
	v58 =	vshrl.u32 v1, $0x1;
	v62 =	vshrl.u32 v1, $0x3  }
0x88: {  	s14 =	simm.s32 $0x400;
	v0 =	vor.u32 v1, v0;
	v2 =	vand.u32 $0x1, v2;
	v4 =	vand.u32 $0x1, v58  }
0x89: {  	s18 =	sand.u32 $0x3FFFFC00, s14;
	v1 =	vand.u32 $0x1, v1;
	v3 =	vshrl.u32 v0, $0x4;
	v2 =	vcvt.s32.f32 v2  }
0x8a: {  	s15 =	sadd.s32 $0x0, s18;
	v59 =	vshrl.u32 v0, $0x5;
	v4 =	vcvt.s32.f32 v4;
	v60 =	vshrl.u32 v0, $0x6  }
0x8b: {  	v0 =	vshrl.u32 v0, $0x7;
	v1 =	vcvt.s32.f32 v1;
	v3 =	vand.u32 $0x1, v3;
	[tilespmem:s15+$0xE80] =	vst v2  }
0x8c: {  	v0 =	vand.u32 $0x1, v0;
	v3 =	vcvt.s32.f32 v3;
	[tilespmem:s15+$0xF00] =	vst v4  }
0x8d: {  	v2 =	vand.u32 $0x1, v59;
	v0 =	vcvt.s32.f32 v0;
	[tilespmem:s15+$0xF80] =	vst v1  }
0x8e: {  	v61 =	vand.u32 $0x1, v60;
	v2 =	vcvt.s32.f32 v2;
	[tilespmem:s15+$0x1180] =	vst v3  }
0x8f: {  	v63 =	vand.u32 $0x1, v62;
	v3 =	vcvt.s32.f32 v61;
	[tilespmem:s15+$0x1000] =	vst v0  }
0x90: {  	[tilespmem:s15+$0x1100] =	vst v2;
	v2 =	vcvt.s32.f32 v63  }
0x91: {  	[tilespmem:s15+$0x1080] =	vst v3  }
0x92: {  	s16 =	simm.s32 $0x10;
	[tilespmem:s15+$0xE00] =	vst v2  }
0x93: {  	s15 =	simm.s32 $0x80;
	v0 =	vld [tilespmem:s16+$0x80]  }
.LBB2_6:
0x94: {  	p0 =	sne.s32 s15, $0x1C0;
	v1 =	vld [tilespmem:s16+$0xC80]  }
0x95: {  	v2 =	vld [tilespmem:s16+$0xA80]  }
0x96: {  	v3 =	vld [tilespmem:s16+$0x880];
	_ =	sdelay $0x2  }
0x97: {  	vm0 =	vgt.s32 v0, $0xF41FF;
	v0 =	vshrl.u32 v1, $0x4  }
0x98: {  	v1 =	vand.u32 $0xF, v1;
	v0 =	vsel vm0, v0, v2  }
0x99: {  	v1 =	vsel vm0, v1, v3;
	v0 =	vshll.u32 v0, $0x4  }
0x9a: {  	v0 =	vor.u32 v1, v0;
	v2 =	vshrl.u32 v1, $0x2;
	v3 =	vshrl.u32 v1, $0x1  }
0x9b: {  	s14 =	sadd.s32 $0x80, s14;
	v2 =	vand.u32 $0x1, v2;
	v3 =	vand.u32 $0x1, v3;
	v4 =	vshrl.u32 v0, $0x4  }
0x9c: {  	s17 =	sand.u32 $0x3FFFFC00, s14;
	v2 =	vcvt.s32.f32 v2;
	v3 =	vcvt.s32.f32 v3;
	v4 =	vand.u32 $0x1, v4  }
0x9d: {  	s17 =	sadd.s32 s16, s17;
	v5 =	vshrl.u32 v0, $0x6;
	v6 =	vshrl.u32 v0, $0x5;
	v4 =	vcvt.s32.f32 v4  }
0x9e: {  	v0 =	vshrl.u32 v0, $0x7;
	[tilespmem:s17+$0xE80] =	vst v2;
	v2 =	vand.u32 $0x1, v5;
	v5 =	vand.u32 $0x1, v6  }
0x9f: {  	v0 =	vand.u32 $0x1, v0;
	v2 =	vcvt.s32.f32 v2;
	v5 =	vcvt.s32.f32 v5;
	[tilespmem:s17+$0x1180] =	vst v4  }
0xa0: {  	v0 =	vcvt.s32.f32 v0;
	v4 =	vshrl.u32 v1, $0x3;
	v1 =	vand.u32 $0x1, v1;
	[tilespmem:s17+$0xF00] =	vst v3  }
0xa1: {  	v3 =	vand.u32 $0x1, v4;
	v1 =	vcvt.s32.f32 v1;
	[tilespmem:s17+$0x1100] =	vst v5  }
.Ltmp2:
0xa2: {  	v3 =	vcvt.s32.f32 v3;
	[tilespmem:s17+$0x1080] =	vst v2;
	(pc) =	sbr.rel @p0 .LBB2_6-.Ltmp2, $4  }
0xa3: {  	[tilespmem:s17+$0x1000] =	vst v0  }
0xa4: {  	[tilespmem:s17+$0xE00] =	vst v3  }
0xa5: {  	s16 =	sshra.s32 s15, $0x2;
	[tilespmem:s17+$0xF80] =	vst v1  }
0xa6: {  	s15 =	sadd.s32 $0x40, s15;
	v0 =	vld [tilespmem:s16+$0x80]  }
0xa7: {  	v1 =	vld [tilespmem:s16+$0xC80]  }
0xa8: {  	v2 =	vld [tilespmem:s16+$0xA80]  }
0xa9: {  	v3 =	vld [tilespmem:s16+$0x880];
	_ =	sdelay $0x2  }
0xaa: {  	vm0 =	vgt.s32 v0, $0xF41FF;
	v0 =	vshrl.u32 v1, $0x4  }
0xab: {  	v1 =	vand.u32 $0xF, v1;
	v0 =	vsel vm0, v0, v2  }
0xac: {  	v1 =	vsel vm0, v1, v3;
	v0 =	vshll.u32 v0, $0x4  }
0xad: {  	v2 =	vshrl.u32 v1, $0x2;
	v4 =	vshrl.u32 v1, $0x1;
	v56 =	vshrl.u32 v1, $0x3  }
0xae: {  	s14 =	sadd.s32 $0x80, s14;
	v0 =	vor.u32 v1, v0;
	v2 =	vand.u32 $0x1, v2;
	v4 =	vand.u32 $0x1, v4  }
0xaf: {  	s14 =	sand.u32 $0x3FFFFC00, s14;
	v1 =	vand.u32 $0x1, v1;
	v3 =	vshrl.u32 v0, $0x4;
	v2 =	vcvt.s32.f32 v2  }
0xb0: {  	s14 =	sadd.s32 s16, s14;
	v5 =	vshrl.u32 v0, $0x5;
	v4 =	vcvt.s32.f32 v4;
	v6 =	vshrl.u32 v0, $0x6  }
0xb1: {  	v0 =	vshrl.u32 v0, $0x7;
	v1 =	vcvt.s32.f32 v1;
	v3 =	vand.u32 $0x1, v3;
	[tilespmem:s14+$0xE80] =	vst v2  }
0xb2: {  	v0 =	vand.u32 $0x1, v0;
	v3 =	vcvt.s32.f32 v3;
	[tilespmem:s14+$0xF00] =	vst v4  }
0xb3: {  	v2 =	vand.u32 $0x1, v5;
	v0 =	vcvt.s32.f32 v0;
	[tilespmem:s14+$0xF80] =	vst v1  }
0xb4: {  	v55 =	vand.u32 $0x1, v6;
	v2 =	vcvt.s32.f32 v2;
	[tilespmem:s14+$0x1180] =	vst v3  }
0xb5: {  	v57 =	vand.u32 $0x1, v56;
	v3 =	vcvt.s32.f32 v55;
	[tilespmem:s14+$0x1000] =	vst v0  }
0xb6: {  	[tilespmem:s14+$0x1100] =	vst v2;
	v2 =	vcvt.s32.f32 v57  }
0xb7: {  	[tilespmem:s14+$0x1080] =	vst v3  }
0xb8: {  	[tilespmem:s14+$0xE00] =	vst v2  }
0xb9: {  	_ =	swait.ge [sflag:s11], $0x80  }
0xba: {  	[sflag:s11] =	ssyncset.done $0x0  }
0xbb: {  	[sflag:s11] =	ssyncadd.s32 $0xFFFFFF80  }
0xbc: {  	_ =	swait.ge [sflag:s11], $0x80  }
0xbd: {  	[sflag:s11] =	ssyncset.done $0x0  }
0xbe: {  	[sflag:s11] =	ssyncadd.s32 $0xFFFFFF80  }
0xbf: {  	_ =	swait.ge [sflag:s11], $0x80  }
0xc0: {  	[sflag:s11] =	ssyncset.done $0x0  }
0xc1: {  	s18 =	simm.s32 $0x0;
	[sflag:s11] =	ssyncadd.s32 $0xFFFFFF80  }
0xc2: {  	v0 =	vld [tilespmem:s18+$0x100]  }
0xc3: {  	v1 =	vld [tilespmem:s18+$0xD00]  }
0xc4: {  	v2 =	vld [tilespmem:s18+$0xB00]  }
0xc5: {  	v3 =	vld [tilespmem:s18+$0x900];
	_ =	sdelay $0x2  }
0xc6: {  	vm15 =	vgt.s32 v0, $0xF41FF;
	v0 =	vshrl.u32 v1, $0x4  }
0xc7: {  	v1 =	vand.u32 $0xF, v1;
	v0 =	vsel vm15, v0, v2  }
0xc8: {  	v1 =	vsel vm15, v1, v3;
	v0 =	vshll.u32 v0, $0x4  }
0xc9: {  	v2 =	vshrl.u32 v1, $0x2;
	v58 =	vshrl.u32 v1, $0x1;
	v62 =	vshrl.u32 v1, $0x3  }
0xca: {  	s14 =	simm.s32 $0x800;
	v0 =	vor.u32 v1, v0;
	v2 =	vand.u32 $0x1, v2;
	v4 =	vand.u32 $0x1, v58  }
0xcb: {  	s15 =	sand.u32 $0x3FFFFC00, s14;
	v1 =	vand.u32 $0x1, v1;
	v3 =	vshrl.u32 v0, $0x4;
	v2 =	vcvt.s32.f32 v2  }
0xcc: {  	s15 =	sadd.s32 $0x0, s15;
	v59 =	vshrl.u32 v0, $0x5;
	v4 =	vcvt.s32.f32 v4;
	v60 =	vshrl.u32 v0, $0x6  }
0xcd: {  	v0 =	vshrl.u32 v0, $0x7;
	v1 =	vcvt.s32.f32 v1;
	v3 =	vand.u32 $0x1, v3;
	[tilespmem:s15+$0xE80] =	vst v2  }
0xce: {  	v0 =	vand.u32 $0x1, v0;
	v3 =	vcvt.s32.f32 v3;
	[tilespmem:s15+$0xF00] =	vst v4  }
0xcf: {  	v2 =	vand.u32 $0x1, v59;
	v0 =	vcvt.s32.f32 v0;
	[tilespmem:s15+$0xF80] =	vst v1  }
0xd0: {  	v61 =	vand.u32 $0x1, v60;
	v2 =	vcvt.s32.f32 v2;
	[tilespmem:s15+$0x1180] =	vst v3  }
0xd1: {  	v63 =	vand.u32 $0x1, v62;
	v3 =	vcvt.s32.f32 v61;
	[tilespmem:s15+$0x1000] =	vst v0  }
0xd2: {  	[tilespmem:s15+$0x1100] =	vst v2;
	v2 =	vcvt.s32.f32 v63  }
0xd3: {  	[tilespmem:s15+$0x1080] =	vst v3  }
0xd4: {  	s16 =	simm.s32 $0x10;
	[tilespmem:s15+$0xE00] =	vst v2  }
0xd5: {  	s15 =	simm.s32 $0x80;
	v0 =	vld [tilespmem:s16+$0x100]  }
.LBB2_8:
0xd6: {  	p0 =	sne.s32 s15, $0x1C0;
	v1 =	vld [tilespmem:s16+$0xD00]  }
0xd7: {  	v2 =	vld [tilespmem:s16+$0xB00]  }
0xd8: {  	v3 =	vld [tilespmem:s16+$0x900];
	_ =	sdelay $0x2  }
0xd9: {  	vm0 =	vgt.s32 v0, $0xF41FF;
	v0 =	vshrl.u32 v1, $0x4  }
0xda: {  	v1 =	vand.u32 $0xF, v1;
	v0 =	vsel vm0, v0, v2  }
0xdb: {  	v1 =	vsel vm0, v1, v3;
	v0 =	vshll.u32 v0, $0x4  }
0xdc: {  	v0 =	vor.u32 v1, v0;
	v2 =	vshrl.u32 v1, $0x2;
	v3 =	vshrl.u32 v1, $0x1  }
0xdd: {  	s14 =	sadd.s32 $0x80, s14;
	v2 =	vand.u32 $0x1, v2;
	v3 =	vand.u32 $0x1, v3;
	v4 =	vshrl.u32 v0, $0x4  }
0xde: {  	s17 =	sand.u32 $0x3FFFFC00, s14;
	v2 =	vcvt.s32.f32 v2;
	v3 =	vcvt.s32.f32 v3;
	v4 =	vand.u32 $0x1, v4  }
0xdf: {  	s17 =	sadd.s32 s16, s17;
	v5 =	vshrl.u32 v0, $0x6;
	v6 =	vshrl.u32 v0, $0x5;
	v4 =	vcvt.s32.f32 v4  }
0xe0: {  	v0 =	vshrl.u32 v0, $0x7;
	[tilespmem:s17+$0xE80] =	vst v2;
	v2 =	vand.u32 $0x1, v5;
	v5 =	vand.u32 $0x1, v6  }
0xe1: {  	v0 =	vand.u32 $0x1, v0;
	v2 =	vcvt.s32.f32 v2;
	v5 =	vcvt.s32.f32 v5;
	[tilespmem:s17+$0x1180] =	vst v4  }
0xe2: {  	v0 =	vcvt.s32.f32 v0;
	v4 =	vshrl.u32 v1, $0x3;
	v1 =	vand.u32 $0x1, v1;
	[tilespmem:s17+$0xF00] =	vst v3  }
0xe3: {  	v3 =	vand.u32 $0x1, v4;
	v1 =	vcvt.s32.f32 v1;
	[tilespmem:s17+$0x1100] =	vst v5  }
.Ltmp3:
0xe4: {  	v3 =	vcvt.s32.f32 v3;
	[tilespmem:s17+$0x1080] =	vst v2;
	(pc) =	sbr.rel @p0 .LBB2_8-.Ltmp3, $4  }
0xe5: {  	[tilespmem:s17+$0x1000] =	vst v0  }
0xe6: {  	[tilespmem:s17+$0xE00] =	vst v3  }
0xe7: {  	s16 =	sshra.s32 s15, $0x2;
	[tilespmem:s17+$0xF80] =	vst v1  }
0xe8: {  	s15 =	sadd.s32 $0x40, s15;
	v0 =	vld [tilespmem:s16+$0x100]  }
0xe9: {  	v1 =	vld [tilespmem:s16+$0xD00]  }
0xea: {  	v2 =	vld [tilespmem:s16+$0xB00]  }
0xeb: {  	v3 =	vld [tilespmem:s16+$0x900];
	_ =	sdelay $0x2  }
0xec: {  	vm0 =	vgt.s32 v0, $0xF41FF;
	v0 =	vshrl.u32 v1, $0x4  }
0xed: {  	v1 =	vand.u32 $0xF, v1;
	v0 =	vsel vm0, v0, v2  }
0xee: {  	v1 =	vsel vm0, v1, v3;
	v0 =	vshll.u32 v0, $0x4  }
0xef: {  	v2 =	vshrl.u32 v1, $0x2;
	v4 =	vshrl.u32 v1, $0x1;
	v56 =	vshrl.u32 v1, $0x3  }
0xf0: {  	s14 =	sadd.s32 $0x80, s14;
	v0 =	vor.u32 v1, v0;
	v2 =	vand.u32 $0x1, v2;
	v4 =	vand.u32 $0x1, v4  }
0xf1: {  	s14 =	sand.u32 $0x3FFFFC00, s14;
	v1 =	vand.u32 $0x1, v1;
	v3 =	vshrl.u32 v0, $0x4;
	v2 =	vcvt.s32.f32 v2  }
0xf2: {  	s14 =	sadd.s32 s16, s14;
	v5 =	vshrl.u32 v0, $0x5;
	v4 =	vcvt.s32.f32 v4;
	v6 =	vshrl.u32 v0, $0x6  }
0xf3: {  	v0 =	vshrl.u32 v0, $0x7;
	v1 =	vcvt.s32.f32 v1;
	v3 =	vand.u32 $0x1, v3;
	[tilespmem:s14+$0xE80] =	vst v2  }
0xf4: {  	v0 =	vand.u32 $0x1, v0;
	v3 =	vcvt.s32.f32 v3;
	[tilespmem:s14+$0xF00] =	vst v4  }
0xf5: {  	v2 =	vand.u32 $0x1, v5;
	v0 =	vcvt.s32.f32 v0;
	[tilespmem:s14+$0xF80] =	vst v1  }
0xf6: {  	v55 =	vand.u32 $0x1, v6;
	v2 =	vcvt.s32.f32 v2;
	[tilespmem:s14+$0x1180] =	vst v3  }
0xf7: {  	v57 =	vand.u32 $0x1, v56;
	v3 =	vcvt.s32.f32 v55;
	[tilespmem:s14+$0x1000] =	vst v0  }
0xf8: {  	[tilespmem:s14+$0x1100] =	vst v2;
	v2 =	vcvt.s32.f32 v57  }
0xf9: {  	[tilespmem:s14+$0x1080] =	vst v3  }
0xfa: {  	[tilespmem:s14+$0xE00] =	vst v2  }
0xfb: {  	_ =	swait.ge [sflag:s11], $0x80  }
0xfc: {  	[sflag:s11] =	ssyncset.done $0x0  }
0xfd: {  	[sflag:s11] =	ssyncadd.s32 $0xFFFFFF80  }
0xfe: {  	_ =	swait.ge [sflag:s11], $0x80  }
0xff: {  	[sflag:s11] =	ssyncset.done $0x0  }
0x100: {  	[sflag:s11] =	ssyncadd.s32 $0xFFFFFF80  }
0x101: {  	_ =	swait.ge [sflag:s11], $0x80  }
0x102: {  	[sflag:s11] =	ssyncset.done $0x0  }
0x103: {  	s18 =	simm.s32 $0x0;
	[sflag:s11] =	ssyncadd.s32 $0xFFFFFF80  }
0x104: {  	v0 =	vld [tilespmem:s18+$0x180]  }
0x105: {  	v1 =	vld [tilespmem:s18+$0xD80]  }
0x106: {  	v2 =	vld [tilespmem:s18+$0xB80]  }
0x107: {  	v3 =	vld [tilespmem:s18+$0x980];
	_ =	sdelay $0x2  }
0x108: {  	vm15 =	vgt.s32 v0, $0xF41FF;
	v0 =	vshrl.u32 v1, $0x4  }
0x109: {  	v1 =	vand.u32 $0xF, v1;
	v0 =	vsel vm15, v0, v2  }
0x10a: {  	v1 =	vsel vm15, v1, v3;
	v0 =	vshll.u32 v0, $0x4  }
0x10b: {  	v2 =	vshrl.u32 v1, $0x2;
	v58 =	vshrl.u32 v1, $0x1;
	v62 =	vshrl.u32 v1, $0x3  }
0x10c: {  	s14 =	simm.s32 $0xC00;
	v0 =	vor.u32 v1, v0;
	v2 =	vand.u32 $0x1, v2;
	v4 =	vand.u32 $0x1, v58  }
0x10d: {  	s15 =	sand.u32 $0x3FFFFC00, s14;
	v1 =	vand.u32 $0x1, v1;
	v3 =	vshrl.u32 v0, $0x4;
	v2 =	vcvt.s32.f32 v2  }
0x10e: {  	s15 =	sadd.s32 $0x0, s15;
	v59 =	vshrl.u32 v0, $0x5;
	v4 =	vcvt.s32.f32 v4;
	v60 =	vshrl.u32 v0, $0x6  }
0x10f: {  	v0 =	vshrl.u32 v0, $0x7;
	v1 =	vcvt.s32.f32 v1;
	v3 =	vand.u32 $0x1, v3;
	[tilespmem:s15+$0xE80] =	vst v2  }
0x110: {  	v0 =	vand.u32 $0x1, v0;
	v3 =	vcvt.s32.f32 v3;
	[tilespmem:s15+$0xF00] =	vst v4  }
0x111: {  	v2 =	vand.u32 $0x1, v59;
	v0 =	vcvt.s32.f32 v0;
	[tilespmem:s15+$0xF80] =	vst v1  }
0x112: {  	v61 =	vand.u32 $0x1, v60;
	v2 =	vcvt.s32.f32 v2;
	[tilespmem:s15+$0x1180] =	vst v3  }
0x113: {  	v63 =	vand.u32 $0x1, v62;
	v3 =	vcvt.s32.f32 v61;
	[tilespmem:s15+$0x1000] =	vst v0  }
0x114: {  	[tilespmem:s15+$0x1100] =	vst v2;
	v2 =	vcvt.s32.f32 v63  }
0x115: {  	[tilespmem:s15+$0x1080] =	vst v3  }
0x116: {  	s16 =	simm.s32 $0x10;
	[tilespmem:s15+$0xE00] =	vst v2  }
0x117: {  	s15 =	simm.s32 $0x80;
	v0 =	vld [tilespmem:s16+$0x180]  }
.LBB2_10:
0x118: {  	p0 =	sne.s32 s15, $0x1C0;
	v1 =	vld [tilespmem:s16+$0xD80]  }
0x119: {  	v2 =	vld [tilespmem:s16+$0xB80]  }
0x11a: {  	v3 =	vld [tilespmem:s16+$0x980];
	_ =	sdelay $0x2  }
0x11b: {  	vm0 =	vgt.s32 v0, $0xF41FF;
	v0 =	vshrl.u32 v1, $0x4  }
0x11c: {  	v1 =	vand.u32 $0xF, v1;
	v0 =	vsel vm0, v0, v2  }
0x11d: {  	v1 =	vsel vm0, v1, v3;
	v0 =	vshll.u32 v0, $0x4  }
0x11e: {  	v0 =	vor.u32 v1, v0;
	v2 =	vshrl.u32 v1, $0x2;
	v3 =	vshrl.u32 v1, $0x1  }
0x11f: {  	s14 =	sadd.s32 $0x80, s14;
	v2 =	vand.u32 $0x1, v2;
	v3 =	vand.u32 $0x1, v3;
	v4 =	vshrl.u32 v0, $0x4  }
0x120: {  	s17 =	sand.u32 $0x3FFFFC00, s14;
	v2 =	vcvt.s32.f32 v2;
	v3 =	vcvt.s32.f32 v3;
	v4 =	vand.u32 $0x1, v4  }
0x121: {  	s17 =	sadd.s32 s16, s17;
	v5 =	vshrl.u32 v0, $0x6;
	v6 =	vshrl.u32 v0, $0x5;
	v4 =	vcvt.s32.f32 v4  }
0x122: {  	v0 =	vshrl.u32 v0, $0x7;
	[tilespmem:s17+$0xE80] =	vst v2;
	v2 =	vand.u32 $0x1, v5;
	v5 =	vand.u32 $0x1, v6  }
0x123: {  	v0 =	vand.u32 $0x1, v0;
	v2 =	vcvt.s32.f32 v2;
	v5 =	vcvt.s32.f32 v5;
	[tilespmem:s17+$0x1180] =	vst v4  }
0x124: {  	v0 =	vcvt.s32.f32 v0;
	v4 =	vshrl.u32 v1, $0x3;
	v1 =	vand.u32 $0x1, v1;
	[tilespmem:s17+$0xF00] =	vst v3  }
0x125: {  	v3 =	vand.u32 $0x1, v4;
	v1 =	vcvt.s32.f32 v1;
	[tilespmem:s17+$0x1100] =	vst v5  }
.Ltmp4:
0x126: {  	v3 =	vcvt.s32.f32 v3;
	[tilespmem:s17+$0x1080] =	vst v2;
	(pc) =	sbr.rel @p0 .LBB2_10-.Ltmp4, $4  }
0x127: {  	[tilespmem:s17+$0x1000] =	vst v0  }
0x128: {  	[tilespmem:s17+$0xE00] =	vst v3  }
0x129: {  	s16 =	sshra.s32 s15, $0x2;
	[tilespmem:s17+$0xF80] =	vst v1  }
0x12a: {  	s15 =	sadd.s32 $0x40, s15;
	v0 =	vld [tilespmem:s16+$0x180]  }
0x12b: {  	v1 =	vld [tilespmem:s16+$0xD80]  }
0x12c: {  	v3 =	vld [tilespmem:s16+$0x980]  }
0x12d: {  	v2 =	vld [tilespmem:s16+$0xB80];
	_ =	sdelay $0x2  }
0x12e: {  	vm0 =	vgt.s32 v0, $0xF41FF;
	v55 =	vshrl.u32 v1, $0x4;
	v1 =	vand.u32 $0xF, v1  }
0x12f: {  	v1 =	vsel vm0, v1, v3  }
0x130: {  	v0 =	vsel vm0, v55, v2;
	v56 =	vshrl.u32 v1, $0x2  }
0x131: {  	s14 =	sadd.s32 $0x80, s14;
	v0 =	vshll.u32 v0, $0x4;
	v4 =	vshrl.u32 v1, $0x1;
	v2 =	vand.u32 $0x1, v56  }
0x132: {  	s14 =	sand.u32 $0x3FFFFC00, s14;
	v61 =	vshrl.u32 v1, $0x3;
	v4 =	vand.u32 $0x1, v4;
	v2 =	vcvt.s32.f32 v2  }
0x133: {  	s14 =	sadd.s32 s16, s14;
	v0 =	vor.u32 v1, v0;
	v62 =	vand.u32 $0x1, v61;
	v4 =	vcvt.s32.f32 v4  }
0x134: {  	v1 =	vand.u32 $0x1, v1;
	v57 =	vshrl.u32 v0, $0x4;
	v63 =	vcvt.s32.f32 v62;
	[tilespmem:s14+$0xE80] =	vst v2  }
0x135: {  	v5 =	vshrl.u32 v0, $0x5;
	v1 =	vcvt.s32.f32 v1;
	v3 =	vand.u32 $0x1, v57;
	[tilespmem:s14+$0xF00] =	vst v4  }
0x136: {  	v6 =	vshrl.u32 v0, $0x6;
	v58 =	vand.u32 $0x1, v5;
	v3 =	vcvt.s32.f32 v3;
	[tilespmem:s14+$0xE00] =	vst v63  }
0x137: {  	v0 =	vshrl.u32 v0, $0x7;
	v59 =	vand.u32 $0x1, v6;
	v2 =	vcvt.s32.f32 v58;
	[tilespmem:s14+$0xF80] =	vst v1  }
0x138: {  	v0 =	vand.u32 $0x1, v0;
	v60 =	vcvt.s32.f32 v59;
	[tilespmem:s14+$0x1180] =	vst v3  }
0x139: {  	s13 =	sadd.s32 $0x1, s13;
	v0 =	vcvt.s32.f32 v0;
	[tilespmem:s14+$0x1100] =	vst v2  }
0x13a: {  	p0 =	sne.s32 s13, s7;
	[tilespmem:s14+$0x1080] =	vst v60  }
.Ltmp5:
0x13b: {  	[tilespmem:s14+$0x1000] =	vst v0;
	(pc) =	sbr.rel @p0 .LBB2_1-.Ltmp5, $4  }
0x13c: {  	[hbm4b:s6+s2] =	stream.linear.scatter [tilespmem:s12], [sflag:$0x2], $0x1000, $0x38;
	[tilespmem:$0x1E00] =	vst v63  }
0x13d: {  	_ =	swait.ge [sflag:s8], $0x1000  }
0x13e: {  	[sflag:s8] =	ssyncset.done $0x0  }
0x13f: {  	[sflag:s8] =	ssyncadd.s32 $0xFFFFF000  }
0x140: {  	_ =	sfence.sel $0x180000  }
0x141: {  	[bflag:$0x0] =	sbarrier.arrive $0xFFFF  }
0x142: {  	_ =	strace $0x90000047  }
0x143: {  	s0 =	stileid.u32;
	[bflag:$0x2] =	sbarrier.arrive $0xFFFF  }
0x144: {  	p0 =	sne.s32 s0, $0x0;
	s0 =	rddreg [dreg:$0x3]  }
0x145: {  	s0 =	sadd.s32 @!p0 $0x100000, s0  }
0x146: {  	[sflag:s0] =	ssyncadd.tile.s32 @!p0 $0x1;
	_ =	shalt  }
.Lfunc_end2:
_tile_overlayer_lowered:
.L_overlay_start_2:
0x147: {  	(tag) =	ssettag $0x2  }
0x148: {  	s0 =	rddreg [dreg:$0x0];
	s2 =	stileid.u32  }
0x149: {  	s1 =	rddreg [dreg:$0x1];
	p0 =	sne.s32 s2, $0x0  }
0x14a: {  	s3 =	rddreg [dreg:$0x2];
	[bflag:$0x3] =	sbarrier.arrive $0xFFFF;
	s2 =	simm.s32 @!p0 $0x1C02  }
0x14b: {  	[timem:s3], [sflag:s2] =	dma.local @!p0 [hbm:s0], s1  }
0x14c: {  	s0 =	simm.s32 @!p0 $0x2  }
0x14d: {  	_ =	swait.ge @!p0 [sflag:s0], s1  }
0x14e: {  	s1 =	ssub.s32 @!p0 $0x0, s1;
	[sflag:s0] =	ssyncset.done @!p0 $0x0  }
0x14f: {  	[sflag:s0] =	ssyncadd.s32 @!p0 s1  }
0x150: {  	[bflag:$0x3] =	sbarrier.arrive $0xFFFF  }
0x151: {  	_ =	shalt  }

</sc_bundles>
